<compile_context>
chip_gen: v7x
topology: tpu7x:2x2x1
jax: 0.10.2.dev20260603
libtpu: 0.0.44.dev20260713+nightly
codegen_flags: <defaults>
</compile_context>

<pallas_src>
import functools

import jax
import jax.numpy as jnp
from jax import lax
from jax.experimental import pallas as pl
from jax.experimental.pallas import tpu as pltpu
from jax.experimental.pallas import tpu_sc as plsc

_NUM_CLASSES = 100000
_EMBED_DIM = 64
_BATCH = 16384

_NC = 2
_NS = 16
_NW = _NC * _NS
_L = 16
_FEATS_PER_W = _EMBED_DIM // _NW
_CHUNK = 2048
_NBUF = 4
_UNROLL = 8


def _center_loss_partials(emb_t, labels, cent_t):
  mesh = plsc.VectorSubcoreMesh(core_axis_name="c", subcore_axis_name="s")
  n_chunks = _BATCH // _CHUNK
  n_items = _FEATS_PER_W * n_chunks

  @functools.partial(
      pl.kernel,
      mesh=mesh,
      out_type=jax.ShapeDtypeStruct((_NW, _L), jnp.float32),
      compiler_params=pltpu.CompilerParams(use_tc_tiling_on_sc=True,
                                           needs_layout_passes=False),
      scratch_types=[
          pltpu.VMEM((_NUM_CLASSES,), jnp.float32),
          pltpu.VMEM((_BATCH,), jnp.int32),
          pltpu.VMEM((_NBUF, _CHUNK), jnp.float32),
          pltpu.VMEM((_L,), jnp.float32),
          pltpu.SemaphoreType.DMA,
      ],
  )
  def body(emb_hbm, lab_hbm, cent_hbm, out_hbm, crow_v, lab_v, erow_v, acc_v,
           sem_chunk):
    wid = lax.axis_index("s") * _NC + lax.axis_index("c")
    c0 = wid * _FEATS_PER_W

    def start_item(item, buf):
      f = item // n_chunks
      base = lax.rem(item, n_chunks) * _CHUNK
      pltpu.async_copy(emb_hbm.at[c0 + f, pl.ds(base, _CHUNK)],
                       erow_v.at[buf], sem_chunk)

    def wait_item():
      pltpu.make_async_copy(emb_hbm.at[0, pl.ds(0, _CHUNK)], erow_v.at[0],
                            sem_chunk).wait()

    pltpu.sync_copy(lab_hbm, lab_v)
    for p in range(_NBUF - 1):
      start_item(p, p)

    def feat_body(f, acc):
      pltpu.sync_copy(cent_hbm.at[c0 + f], crow_v)

      def chunk_body(chunk, acc):
        item = f * n_chunks + chunk
        buf = lax.rem(item, _NBUF)
        wait_item()
        start_item(jnp.minimum(item + _NBUF - 1, n_items - 1),
                   lax.rem(item + _NBUF - 1, _NBUF))
        lab_base = lax.rem(item, n_chunks) * _CHUNK

        def iter_body(j, accs):
          base = j * (_L * _UNROLL)
          new = list(accs)
          for u in range(_UNROLL):
            lv = lab_v[pl.ds(lab_base + base + u * _L, _L)]
            g = plsc.load_gather(crow_v, [lv])
            e = erow_v[buf, pl.ds(base + u * _L, _L)]
            d = e - g
            new[u % 4] = new[u % 4] + d * d
          return tuple(new)

        return lax.fori_loop(0, _CHUNK // (_L * _UNROLL), iter_body, acc)

      return lax.fori_loop(0, n_chunks, chunk_body, acc)

    acc = lax.fori_loop(
        0, _FEATS_PER_W, feat_body,
        tuple(jnp.zeros((_L,), jnp.float32) for _ in range(4)))

    for _ in range(_NBUF - 1):
      wait_item()
    total = (acc[0] + acc[1]) + (acc[2] + acc[3])
    acc_v[...] = total
    pltpu.sync_copy(acc_v, out_hbm.at[wid])

  return body(emb_t, labels, cent_t)


def kernel(embeddings, labels, centers):
  partials = _center_loss_partials(embeddings.T, labels.astype(jnp.int32),
                                   centers.T)
  return jnp.sum(partials) / _BATCH

# --- scband reference (transcript-rebuilt; emitter-appended) ---
"""Pipeline reference for scband-center-loss-79731772882980 (READ-ONLY COPY).

The authoritative reference and input builder live on the scoring server;
editing this copy changes nothing except your own understanding.
"""

import jax, jax.numpy as jnp
import numpy as np

NUM_CLASSES = 100000
EMBED_DIM = 64
BATCH = 16384

def setup_inputs(seed: int = 0) -> dict:
    key = jax.random.key(seed)
    k1, k2, k3 = jax.random.split(key, 3)
    embeddings = jax.random.normal(k1, (BATCH, EMBED_DIM), dtype=jnp.float32)
    labels = jax.random.randint(k2, (BATCH,), 0, NUM_CLASSES, dtype=jnp.int64 if jax.config.jax_enable_x64 else jnp.int32)
    centers = jax.random.normal(k3, (NUM_CLASSES, EMBED_DIM), dtype=jnp.float32)
    return {"embeddings": embeddings, "labels": labels, "centers": centers}

def reference(embeddings, labels, centers):
    # centers_batch = self.centers[labels]  (gather)
    centers_batch = jnp.take(centers, labels, axis=0)
    # ((embeddings - centers_batch) ** 2).sum(dim=1).mean()
    diff = embeddings - centers_batch
    loss = jnp.sum(diff * diff, axis=1).mean()
    return loss

if __name__ == "__main__":
    import jax
    _d = setup_inputs()
    print(jax.jit(kernel)(*tuple(_d.values())))

</pallas_src>

<mosaic_0001>
#map = affine_map<(d0, d1) -> (0, 0)>
#map1 = affine_map<(d0, d1) -> (0)>
module attributes {stable_mosaic.version = 14 : i64} {
  func.func @body(%arg0: i32, %arg1: i32, %arg2: memref<64x16384xf32, #tpu.memory_space<hbm>>, %arg3: memref<16384xi32, #tpu.memory_space<hbm>>, %arg4: memref<64x100000xf32, #tpu.memory_space<hbm>>, %arg5: memref<32x16xf32, #tpu.memory_space<hbm>>, %arg6: memref<100000xf32, #tpu.memory_space<vmem>>, %arg7: memref<16384xi32, #tpu.memory_space<vmem>>, %arg8: memref<4x2048xf32, #tpu.memory_space<vmem>>, %arg9: memref<16xf32, #tpu.memory_space<vmem>>, %arg10: memref<!tpu.dma_semaphore, #tpu.memory_space<semaphore_mem>>) attributes {dimension_semantics = [#tpu.dimension_semantics<core_parallel>, #tpu.dimension_semantics<subcore_parallel>], iteration_bounds = array<i64: 2, 16>, scalar_prefetch = 0 : i64, scratch_operands = 5 : i64, tpu.core_type = #tpu.core_type<sc_vector_subcore>, window_params = [{transform_indices = #map}, {transform_indices = #map1}, {transform_indices = #map}, {transform_indices = #map}]} {
    %mul3A = arith.constant 2 : i32
    %mul3A_0 = arith.muli %arg1, %mul3A : i32
    %add3A = arith.addi %mul3A_0, %arg0 : i32
    %mul3A_1 = arith.constant 2 : i32
    %mul3A_2 = arith.muli %add3A, %mul3A_1 : i32
    "tpu.region"() ({
      %run_scoped3A = tpu.sem_alloc : memref<!tpu.dma_semaphore, #tpu.memory_space<semaphore_mem>>
      tpu.enqueue_dma source(%arg3 : memref<16384xi32, #tpu.memory_space<hbm>>) target(%arg7 : memref<16384xi32, #tpu.memory_space<vmem>>) target_semaphore(%run_scoped3A : memref<!tpu.dma_semaphore, #tpu.memory_space<semaphore_mem>>)
      tpu.wait_dma2 semaphore(%run_scoped3A : memref<!tpu.dma_semaphore, #tpu.memory_space<semaphore_mem>>) src(%arg3 : memref<16384xi32, #tpu.memory_space<hbm>>) dst(%arg7 : memref<16384xi32, #tpu.memory_space<vmem>>)
      tpu.yield
    }) : () -> ()
    %rem3A = arith.constant 0 : i32
    %rem3A_3 = arith.constant 8 : i32
    %rem3A_4 = arith.remsi %rem3A, %rem3A_3 : i32
    %mul3A_5 = arith.constant 2048 : i32
    %mul3A_6 = arith.muli %rem3A_4, %mul3A_5 : i32
    %add3A_7 = arith.constant 0 : i32
    %add3A_8 = arith.addi %mul3A_2, %add3A_7 : i32
    %dma_start3A = arith.constant 0 : i32
    %dma_start3A_9 = arith.constant 0 : i32
    %dma_start3A_10 = tpu.memref_slice %arg8[%dma_start3A, %dma_start3A_9] : memref<4x2048xf32, #tpu.memory_space<vmem>> -> memref<1x2048xf32, #tpu.memory_space<vmem>>
    %dma_start3A_11 = tpu.memref_squeeze %dma_start3A_10 : memref<1x2048xf32, #tpu.memory_space<vmem>> -> memref<2048xf32, #tpu.memory_space<vmem>>
    %dma_start3A_12 = tpu.memref_slice %arg2[%add3A_8, %mul3A_6] : memref<64x16384xf32, #tpu.memory_space<hbm>> -> memref<1x2048xf32, #tpu.memory_space<hbm>>
    %dma_start3A_13 = tpu.memref_squeeze %dma_start3A_12 : memref<1x2048xf32, #tpu.memory_space<hbm>> -> memref<2048xf32, #tpu.memory_space<hbm>>
    %dma_start3A_14 = arith.constant 0 : i32
    %dma_start3A_15 = tpu.memref_slice %arg8[%dma_start3A, %dma_start3A_14] : memref<4x2048xf32, #tpu.memory_space<vmem>> -> memref<1x2048xf32, #tpu.memory_space<vmem>>
    %dma_start3A_16 = tpu.memref_squeeze %dma_start3A_15 : memref<1x2048xf32, #tpu.memory_space<vmem>> -> memref<2048xf32, #tpu.memory_space<vmem>>
    %dma_start3A_17 = tpu.memref_slice %arg2[%add3A_8, %mul3A_6] : memref<64x16384xf32, #tpu.memory_space<hbm>> -> memref<1x2048xf32, #tpu.memory_space<hbm>>
    %dma_start3A_18 = tpu.memref_squeeze %dma_start3A_17 : memref<1x2048xf32, #tpu.memory_space<hbm>> -> memref<2048xf32, #tpu.memory_space<hbm>>
    tpu.enqueue_dma source(%dma_start3A_18 : memref<2048xf32, #tpu.memory_space<hbm>>) target(%dma_start3A_16 : memref<2048xf32, #tpu.memory_space<vmem>>) target_semaphore(%arg10 : memref<!tpu.dma_semaphore, #tpu.memory_space<semaphore_mem>>)
    %rem3A_19 = arith.constant 1 : i32
    %rem3A_20 = arith.constant 8 : i32
    %rem3A_21 = arith.remsi %rem3A_19, %rem3A_20 : i32
    %mul3A_22 = arith.constant 2048 : i32
    %mul3A_23 = arith.muli %rem3A_21, %mul3A_22 : i32
    %add3A_24 = arith.constant 0 : i32
    %add3A_25 = arith.addi %mul3A_2, %add3A_24 : i32
    %dma_start3A_26 = arith.constant 1 : i32
    %dma_start3A_27 = arith.constant 0 : i32
    %dma_start3A_28 = tpu.memref_slice %arg8[%dma_start3A_26, %dma_start3A_27] : memref<4x2048xf32, #tpu.memory_space<vmem>> -> memref<1x2048xf32, #tpu.memory_space<vmem>>
    %dma_start3A_29 = tpu.memref_squeeze %dma_start3A_28 : memref<1x2048xf32, #tpu.memory_space<vmem>> -> memref<2048xf32, #tpu.memory_space<vmem>>
    %dma_start3A_30 = tpu.memref_slice %arg2[%add3A_25, %mul3A_23] : memref<64x16384xf32, #tpu.memory_space<hbm>> -> memref<1x2048xf32, #tpu.memory_space<hbm>>
    %dma_start3A_31 = tpu.memref_squeeze %dma_start3A_30 : memref<1x2048xf32, #tpu.memory_space<hbm>> -> memref<2048xf32, #tpu.memory_space<hbm>>
    %dma_start3A_32 = arith.constant 0 : i32
    %dma_start3A_33 = tpu.memref_slice %arg8[%dma_start3A_26, %dma_start3A_32] : memref<4x2048xf32, #tpu.memory_space<vmem>> -> memref<1x2048xf32, #tpu.memory_space<vmem>>
    %dma_start3A_34 = tpu.memref_squeeze %dma_start3A_33 : memref<1x2048xf32, #tpu.memory_space<vmem>> -> memref<2048xf32, #tpu.memory_space<vmem>>
    %dma_start3A_35 = tpu.memref_slice %arg2[%add3A_25, %mul3A_23] : memref<64x16384xf32, #tpu.memory_space<hbm>> -> memref<1x2048xf32, #tpu.memory_space<hbm>>
    %dma_start3A_36 = tpu.memref_squeeze %dma_start3A_35 : memref<1x2048xf32, #tpu.memory_space<hbm>> -> memref<2048xf32, #tpu.memory_space<hbm>>
    tpu.enqueue_dma source(%dma_start3A_36 : memref<2048xf32, #tpu.memory_space<hbm>>) target(%dma_start3A_34 : memref<2048xf32, #tpu.memory_space<vmem>>) target_semaphore(%arg10 : memref<!tpu.dma_semaphore, #tpu.memory_space<semaphore_mem>>)
    %rem3A_37 = arith.constant 2 : i32
    %rem3A_38 = arith.constant 8 : i32
    %rem3A_39 = arith.remsi %rem3A_37, %rem3A_38 : i32
    %mul3A_40 = arith.constant 2048 : i32
    %mul3A_41 = arith.muli %rem3A_39, %mul3A_40 : i32
    %add3A_42 = arith.constant 0 : i32
    %add3A_43 = arith.addi %mul3A_2, %add3A_42 : i32
    %dma_start3A_44 = arith.constant 2 : i32
    %dma_start3A_45 = arith.constant 0 : i32
    %dma_start3A_46 = tpu.memref_slice %arg8[%dma_start3A_44, %dma_start3A_45] : memref<4x2048xf32, #tpu.memory_space<vmem>> -> memref<1x2048xf32, #tpu.memory_space<vmem>>
    %dma_start3A_47 = tpu.memref_squeeze %dma_start3A_46 : memref<1x2048xf32, #tpu.memory_space<vmem>> -> memref<2048xf32, #tpu.memory_space<vmem>>
    %dma_start3A_48 = tpu.memref_slice %arg2[%add3A_43, %mul3A_41] : memref<64x16384xf32, #tpu.memory_space<hbm>> -> memref<1x2048xf32, #tpu.memory_space<hbm>>
    %dma_start3A_49 = tpu.memref_squeeze %dma_start3A_48 : memref<1x2048xf32, #tpu.memory_space<hbm>> -> memref<2048xf32, #tpu.memory_space<hbm>>
    %dma_start3A_50 = arith.constant 0 : i32
    %dma_start3A_51 = tpu.memref_slice %arg8[%dma_start3A_44, %dma_start3A_50] : memref<4x2048xf32, #tpu.memory_space<vmem>> -> memref<1x2048xf32, #tpu.memory_space<vmem>>
    %dma_start3A_52 = tpu.memref_squeeze %dma_start3A_51 : memref<1x2048xf32, #tpu.memory_space<vmem>> -> memref<2048xf32, #tpu.memory_space<vmem>>
    %dma_start3A_53 = tpu.memref_slice %arg2[%add3A_43, %mul3A_41] : memref<64x16384xf32, #tpu.memory_space<hbm>> -> memref<1x2048xf32, #tpu.memory_space<hbm>>
    %dma_start3A_54 = tpu.memref_squeeze %dma_start3A_53 : memref<1x2048xf32, #tpu.memory_space<hbm>> -> memref<2048xf32, #tpu.memory_space<hbm>>
    tpu.enqueue_dma source(%dma_start3A_54 : memref<2048xf32, #tpu.memory_space<hbm>>) target(%dma_start3A_52 : memref<2048xf32, #tpu.memory_space<vmem>>) target_semaphore(%arg10 : memref<!tpu.dma_semaphore, #tpu.memory_space<semaphore_mem>>)
    %broadcast_in_dim3A = arith.constant 0.000000e+00 : f32
    %broadcast_in_dim3A_55 = vector.broadcast %broadcast_in_dim3A : f32 to vector<16xf32>
    %broadcast_in_dim3A_56 = arith.constant 0.000000e+00 : f32
    %broadcast_in_dim3A_57 = vector.broadcast %broadcast_in_dim3A_56 : f32 to vector<16xf32>
    %broadcast_in_dim3A_58 = arith.constant 0.000000e+00 : f32
    %broadcast_in_dim3A_59 = vector.broadcast %broadcast_in_dim3A_58 : f32 to vector<16xf32>
    %broadcast_in_dim3A_60 = arith.constant 0.000000e+00 : f32
    %broadcast_in_dim3A_61 = vector.broadcast %broadcast_in_dim3A_60 : f32 to vector<16xf32>
    %scan3A = arith.constant 0 : i32
    %scan3A_62 = arith.constant 2 : i32
    %scan3A_63 = arith.addi %scan3A, %scan3A_62 : i32
    %scan3A_64 = arith.constant 1 : i32
    %scan3A_65:4 = scf.for %scan3A_112 = %scan3A to %scan3A_63 step %scan3A_64 iter_args(%scan3A_113 = %broadcast_in_dim3A_55, %scan3A_114 = %broadcast_in_dim3A_57, %scan3A_115 = %broadcast_in_dim3A_59, %scan3A_116 = %broadcast_in_dim3A_61) -> (vector<16xf32>, vector<16xf32>, vector<16xf32>, vector<16xf32>)  : i32 {
      %add3A_117 = arith.addi %mul3A_2, %scan3A_112 : i32
      "tpu.region"() ({
        %run_scoped3A = tpu.sem_alloc : memref<!tpu.dma_semaphore, #tpu.memory_space<semaphore_mem>>
        %dma_start3A_124 = arith.constant 0 : i32
        %dma_start3A_125 = tpu.memref_slice %arg4[%add3A_117, %dma_start3A_124] : memref<64x100000xf32, #tpu.memory_space<hbm>> -> memref<1x100000xf32, #tpu.memory_space<hbm>>
        %dma_start3A_126 = tpu.memref_squeeze %dma_start3A_125 : memref<1x100000xf32, #tpu.memory_space<hbm>> -> memref<100000xf32, #tpu.memory_space<hbm>>
        %dma_start3A_127 = arith.constant 0 : i32
        %dma_start3A_128 = tpu.memref_slice %arg4[%add3A_117, %dma_start3A_127] : memref<64x100000xf32, #tpu.memory_space<hbm>> -> memref<1x100000xf32, #tpu.memory_space<hbm>>
        %dma_start3A_129 = tpu.memref_squeeze %dma_start3A_128 : memref<1x100000xf32, #tpu.memory_space<hbm>> -> memref<100000xf32, #tpu.memory_space<hbm>>
        tpu.enqueue_dma source(%dma_start3A_129 : memref<100000xf32, #tpu.memory_space<hbm>>) target(%arg6 : memref<100000xf32, #tpu.memory_space<vmem>>) target_semaphore(%run_scoped3A : memref<!tpu.dma_semaphore, #tpu.memory_space<semaphore_mem>>)
        %dma_wait3A_130 = arith.constant 0 : i32
        %dma_wait3A_131 = tpu.memref_slice %arg4[%add3A_117, %dma_wait3A_130] : memref<64x100000xf32, #tpu.memory_space<hbm>> -> memref<1x100000xf32, #tpu.memory_space<hbm>>
        %dma_wait3A_132 = tpu.memref_squeeze %dma_wait3A_131 : memref<1x100000xf32, #tpu.memory_space<hbm>> -> memref<100000xf32, #tpu.memory_space<hbm>>
        %dma_wait3A_133 = arith.constant 0 : i32
        %dma_wait3A_134 = tpu.memref_slice %arg4[%add3A_117, %dma_wait3A_133] : memref<64x100000xf32, #tpu.memory_space<hbm>> -> memref<1x100000xf32, #tpu.memory_space<hbm>>
        %dma_wait3A_135 = tpu.memref_squeeze %dma_wait3A_134 : memref<1x100000xf32, #tpu.memory_space<hbm>> -> memref<100000xf32, #tpu.memory_space<hbm>>
        tpu.wait_dma2 semaphore(%run_scoped3A : memref<!tpu.dma_semaphore, #tpu.memory_space<semaphore_mem>>) src(%dma_wait3A_135 : memref<100000xf32, #tpu.memory_space<hbm>>) dst(%arg6 : memref<100000xf32, #tpu.memory_space<vmem>>)
        tpu.yield
      }) : () -> ()
      %scan3A_118 = arith.constant 0 : i32
      %scan3A_119 = arith.constant 8 : i32
      %scan3A_120 = arith.addi %scan3A_118, %scan3A_119 : i32
      %scan3A_121 = arith.constant 1 : i32
      %scan3A_122:4 = scf.for %scan3A_124 = %scan3A_118 to %scan3A_120 step %scan3A_121 iter_args(%scan3A_125 = %scan3A_113, %scan3A_126 = %scan3A_114, %scan3A_127 = %scan3A_115, %scan3A_128 = %scan3A_116) -> (vector<16xf32>, vector<16xf32>, vector<16xf32>, vector<16xf32>)  : i32 {
        %mul3A_129 = arith.constant 8 : i32
        %mul3A_130 = arith.muli %scan3A_112, %mul3A_129 : i32
        %add3A_131 = arith.addi %mul3A_130, %scan3A_124 : i32
        %rem3A_132 = arith.constant 4 : i32
        %rem3A_133 = arith.remsi %add3A_131, %rem3A_132 : i32
        %dma_wait3A_134 = arith.constant 0 : i32
        %dma_wait3A_135 = arith.constant 0 : i32
        %dma_wait3A_136 = arith.constant 0 : i32
        %dma_wait3A_137 = tpu.memref_slice %arg8[%dma_wait3A_135, %dma_wait3A_136] : memref<4x2048xf32, #tpu.memory_space<vmem>> -> memref<1x2048xf32, #tpu.memory_space<vmem>>
        %dma_wait3A_138 = tpu.memref_squeeze %dma_wait3A_137 : memref<1x2048xf32, #tpu.memory_space<vmem>> -> memref<2048xf32, #tpu.memory_space<vmem>>
        %dma_wait3A_139 = arith.constant 0 : i32
        %dma_wait3A_140 = tpu.memref_slice %arg2[%dma_wait3A_134, %dma_wait3A_139] : memref<64x16384xf32, #tpu.memory_space<hbm>> -> memref<1x2048xf32, #tpu.memory_space<hbm>>
        %dma_wait3A_141 = tpu.memref_squeeze %dma_wait3A_140 : memref<1x2048xf32, #tpu.memory_space<hbm>> -> memref<2048xf32, #tpu.memory_space<hbm>>
        %dma_wait3A_142 = arith.constant 0 : i32
        %dma_wait3A_143 = tpu.memref_slice %arg8[%dma_wait3A_135, %dma_wait3A_142] : memref<4x2048xf32, #tpu.memory_space<vmem>> -> memref<1x2048xf32, #tpu.memory_space<vmem>>
        %dma_wait3A_144 = tpu.memref_squeeze %dma_wait3A_143 : memref<1x2048xf32, #tpu.memory_space<vmem>> -> memref<2048xf32, #tpu.memory_space<vmem>>
        %dma_wait3A_145 = arith.constant 0 : i32
        %dma_wait3A_146 = tpu.memref_slice %arg2[%dma_wait3A_134, %dma_wait3A_145] : memref<64x16384xf32, #tpu.memory_space<hbm>> -> memref<1x2048xf32, #tpu.memory_space<hbm>>
        %dma_wait3A_147 = tpu.memref_squeeze %dma_wait3A_146 : memref<1x2048xf32, #tpu.memory_space<hbm>> -> memref<2048xf32, #tpu.memory_space<hbm>>
        tpu.wait_dma2 semaphore(%arg10 : memref<!tpu.dma_semaphore, #tpu.memory_space<semaphore_mem>>) src(%dma_wait3A_147 : memref<2048xf32, #tpu.memory_space<hbm>>) dst(%dma_wait3A_144 : memref<2048xf32, #tpu.memory_space<vmem>>)
        %add3A_148 = arith.constant 4 : i32
        %add3A_149 = arith.addi %add3A_131, %add3A_148 : i32
        %sub3A = arith.constant 1 : i32
        %sub3A_150 = arith.subi %add3A_149, %sub3A : i32
        %min3A = arith.constant 15 : i32
        %min3A_151 = arith.minsi %sub3A_150, %min3A : i32
        %add3A_152 = arith.constant 4 : i32
        %add3A_153 = arith.addi %add3A_131, %add3A_152 : i32
        %sub3A_154 = arith.constant 1 : i32
        %sub3A_155 = arith.subi %add3A_153, %sub3A_154 : i32
        %rem3A_156 = arith.constant 4 : i32
        %rem3A_157 = arith.remsi %sub3A_155, %rem3A_156 : i32
        %jit3A = arith.constant 8 : i32
        %div3A = arith.divsi %min3A_151, %jit3A : i32
        %sign3A = arith.constant 0 : i32
        %sign3A_158 = arith.cmpi sgt, %min3A_151, %sign3A : i32
        %sign3A_159 = arith.extui %sign3A_158 : i1 to i32
        %sign3A_160 = arith.constant 0 : i32
        %sign3A_161 = arith.cmpi slt, %min3A_151, %sign3A_160 : i32
        %sign3A_162 = arith.extui %sign3A_161 : i1 to i32
        %sign3A_163 = arith.subi %sign3A_159, %sign3A_162 : i32
        %sign3A_164 = arith.constant 0 : i32
        %sign3A_165 = arith.cmpi sgt, %jit3A, %sign3A_164 : i32
        %sign3A_166 = arith.extui %sign3A_165 : i1 to i32
        %sign3A_167 = arith.constant 0 : i32
        %sign3A_168 = arith.cmpi slt, %jit3A, %sign3A_167 : i32
        %sign3A_169 = arith.extui %sign3A_168 : i1 to i32
        %sign3A_170 = arith.subi %sign3A_166, %sign3A_169 : i32
        %ne3A = arith.cmpi ne, %sign3A_163, %sign3A_170 : i32
        %rem3A_171 = arith.remsi %min3A_151, %jit3A : i32
        %ne3A_172 = arith.constant 0 : i32
        %ne3A_173 = arith.cmpi ne, %rem3A_171, %ne3A_172 : i32
        %and3A = arith.andi %ne3A, %ne3A_173 : i1
        %sub3A_174 = arith.constant 1 : i32
        %sub3A_175 = arith.subi %div3A, %sub3A_174 : i32
        %select_n3A = arith.select %and3A, %sub3A_175, %div3A : i32
        %rem3A_176 = arith.constant 8 : i32
        %rem3A_177 = arith.remsi %min3A_151, %rem3A_176 : i32
        %mul3A_178 = arith.constant 2048 : i32
        %mul3A_179 = arith.muli %rem3A_177, %mul3A_178 : i32
        %add3A_180 = arith.addi %mul3A_2, %select_n3A : i32
        %dma_start3A_181 = arith.constant 0 : i32
        %dma_start3A_182 = tpu.memref_slice %arg8[%rem3A_157, %dma_start3A_181] : memref<4x2048xf32, #tpu.memory_space<vmem>> -> memref<1x2048xf32, #tpu.memory_space<vmem>>
        %dma_start3A_183 = tpu.memref_squeeze %dma_start3A_182 : memref<1x2048xf32, #tpu.memory_space<vmem>> -> memref<2048xf32, #tpu.memory_space<vmem>>
        %dma_start3A_184 = tpu.memref_slice %arg2[%add3A_180, %mul3A_179] : memref<64x16384xf32, #tpu.memory_space<hbm>> -> memref<1x2048xf32, #tpu.memory_space<hbm>>
        %dma_start3A_185 = tpu.memref_squeeze %dma_start3A_184 : memref<1x2048xf32, #tpu.memory_space<hbm>> -> memref<2048xf32, #tpu.memory_space<hbm>>
        %dma_start3A_186 = arith.constant 0 : i32
        %dma_start3A_187 = tpu.memref_slice %arg8[%rem3A_157, %dma_start3A_186] : memref<4x2048xf32, #tpu.memory_space<vmem>> -> memref<1x2048xf32, #tpu.memory_space<vmem>>
        %dma_start3A_188 = tpu.memref_squeeze %dma_start3A_187 : memref<1x2048xf32, #tpu.memory_space<vmem>> -> memref<2048xf32, #tpu.memory_space<vmem>>
        %dma_start3A_189 = tpu.memref_slice %arg2[%add3A_180, %mul3A_179] : memref<64x16384xf32, #tpu.memory_space<hbm>> -> memref<1x2048xf32, #tpu.memory_space<hbm>>
        %dma_start3A_190 = tpu.memref_squeeze %dma_start3A_189 : memref<1x2048xf32, #tpu.memory_space<hbm>> -> memref<2048xf32, #tpu.memory_space<hbm>>
        tpu.enqueue_dma source(%dma_start3A_190 : memref<2048xf32, #tpu.memory_space<hbm>>) target(%dma_start3A_188 : memref<2048xf32, #tpu.memory_space<vmem>>) target_semaphore(%arg10 : memref<!tpu.dma_semaphore, #tpu.memory_space<semaphore_mem>>)
        %rem3A_191 = arith.constant 8 : i32
        %rem3A_192 = arith.remsi %add3A_131, %rem3A_191 : i32
        %mul3A_193 = arith.constant 2048 : i32
        %mul3A_194 = arith.muli %rem3A_192, %mul3A_193 : i32
        %scan3A_195 = arith.constant 0 : i32
        %scan3A_196 = arith.constant 16 : i32
        %scan3A_197 = arith.addi %scan3A_195, %scan3A_196 : i32
        %scan3A_198 = arith.constant 1 : i32
        %scan3A_199:4 = scf.for %scan3A_201 = %scan3A_195 to %scan3A_197 step %scan3A_198 iter_args(%scan3A_202 = %scan3A_125, %scan3A_203 = %scan3A_126, %scan3A_204 = %scan3A_127, %scan3A_205 = %scan3A_128) -> (vector<16xf32>, vector<16xf32>, vector<16xf32>, vector<16xf32>)  : i32 {
          %mul3A_206 = arith.constant 128 : i32
          %mul3A_207 = arith.muli %scan3A_201, %mul3A_206 : i32
          %add3A_208 = arith.addi %mul3A_194, %mul3A_207 : i32
          %add3A_209 = arith.constant 0 : i32
          %add3A_210 = arith.addi %add3A_208, %add3A_209 : i32
          %get3A = arith.index_cast %add3A_210 : i32 to index
          %get3A_211 = tpu.vector_load %arg7[%get3A] {strides = array<i32>} : memref<16384xi32, #tpu.memory_space<vmem>>, vector<16xi32>,
          %gather3A = tpu.vector_load_idx %arg6[%get3A_211] : memref<100000xf32, #tpu.memory_space<vmem>>[vector<16xi32>], vector<16xf32>,
          %add3A_212 = arith.constant 0 : i32
          %add3A_213 = arith.addi %mul3A_207, %add3A_212 : i32
          %get3A_214 = arith.index_cast %rem3A_133 : i32 to index
          %get3A_215 = arith.index_cast %add3A_213 : i32 to index
          %get3A_216 = tpu.vector_load %arg8[%get3A_214, %get3A_215] {strides = array<i32>} : memref<4x2048xf32, #tpu.memory_space<vmem>>, vector<16xf32>,
          %sub3A_217 = arith.subf %get3A_216, %gather3A : vector<16xf32>
          %mul3A_218 = arith.mulf %sub3A_217, %sub3A_217 : vector<16xf32>
          %add3A_219 = arith.addf %scan3A_202, %mul3A_218 : vector<16xf32>
          %add3A_220 = arith.addi %mul3A_194, %mul3A_207 : i32
          %add3A_221 = arith.constant 16 : i32
          %add3A_222 = arith.addi %add3A_220, %add3A_221 : i32
          %get3A_223 = arith.index_cast %add3A_222 : i32 to index
          %get3A_224 = tpu.vector_load %arg7[%get3A_223] {strides = array<i32>} : memref<16384xi32, #tpu.memory_space<vmem>>, vector<16xi32>,
          %gather3A_225 = tpu.vector_load_idx %arg6[%get3A_224] : memref<100000xf32, #tpu.memory_space<vmem>>[vector<16xi32>], vector<16xf32>,
          %add3A_226 = arith.constant 16 : i32
          %add3A_227 = arith.addi %mul3A_207, %add3A_226 : i32
          %get3A_228 = arith.index_cast %rem3A_133 : i32 to index
          %get3A_229 = arith.index_cast %add3A_227 : i32 to index
          %get3A_230 = tpu.vector_load %arg8[%get3A_228, %get3A_229] {strides = array<i32>} : memref<4x2048xf32, #tpu.memory_space<vmem>>, vector<16xf32>,
          %sub3A_231 = arith.subf %get3A_230, %gather3A_225 : vector<16xf32>
          %mul3A_232 = arith.mulf %sub3A_231, %sub3A_231 : vector<16xf32>
          %add3A_233 = arith.addf %scan3A_203, %mul3A_232 : vector<16xf32>
          %add3A_234 = arith.addi %mul3A_194, %mul3A_207 : i32
          %add3A_235 = arith.constant 32 : i32
          %add3A_236 = arith.addi %add3A_234, %add3A_235 : i32
          %get3A_237 = arith.index_cast %add3A_236 : i32 to index
          %get3A_238 = tpu.vector_load %arg7[%get3A_237] {strides = array<i32>} : memref<16384xi32, #tpu.memory_space<vmem>>, vector<16xi32>,
          %gather3A_239 = tpu.vector_load_idx %arg6[%get3A_238] : memref<100000xf32, #tpu.memory_space<vmem>>[vector<16xi32>], vector<16xf32>,
          %add3A_240 = arith.constant 32 : i32
          %add3A_241 = arith.addi %mul3A_207, %add3A_240 : i32
          %get3A_242 = arith.index_cast %rem3A_133 : i32 to index
          %get3A_243 = arith.index_cast %add3A_241 : i32 to index
          %get3A_244 = tpu.vector_load %arg8[%get3A_242, %get3A_243] {strides = array<i32>} : memref<4x2048xf32, #tpu.memory_space<vmem>>, vector<16xf32>,
          %sub3A_245 = arith.subf %get3A_244, %gather3A_239 : vector<16xf32>
          %mul3A_246 = arith.mulf %sub3A_245, %sub3A_245 : vector<16xf32>
          %add3A_247 = arith.addf %scan3A_204, %mul3A_246 : vector<16xf32>
          %add3A_248 = arith.addi %mul3A_194, %mul3A_207 : i32
          %add3A_249 = arith.constant 48 : i32
          %add3A_250 = arith.addi %add3A_248, %add3A_249 : i32
          %get3A_251 = arith.index_cast %add3A_250 : i32 to index
          %get3A_252 = tpu.vector_load %arg7[%get3A_251] {strides = array<i32>} : memref<16384xi32, #tpu.memory_space<vmem>>, vector<16xi32>,
          %gather3A_253 = tpu.vector_load_idx %arg6[%get3A_252] : memref<100000xf32, #tpu.memory_space<vmem>>[vector<16xi32>], vector<16xf32>,
          %add3A_254 = arith.constant 48 : i32
          %add3A_255 = arith.addi %mul3A_207, %add3A_254 : i32
          %get3A_256 = arith.index_cast %rem3A_133 : i32 to index
          %get3A_257 = arith.index_cast %add3A_255 : i32 to index
          %get3A_258 = tpu.vector_load %arg8[%get3A_256, %get3A_257] {strides = array<i32>} : memref<4x2048xf32, #tpu.memory_space<vmem>>, vector<16xf32>,
          %sub3A_259 = arith.subf %get3A_258, %gather3A_253 : vector<16xf32>
          %mul3A_260 = arith.mulf %sub3A_259, %sub3A_259 : vector<16xf32>
          %add3A_261 = arith.addf %scan3A_205, %mul3A_260 : vector<16xf32>
          %add3A_262 = arith.addi %mul3A_194, %mul3A_207 : i32
          %add3A_263 = arith.constant 64 : i32
          %add3A_264 = arith.addi %add3A_262, %add3A_263 : i32
          %get3A_265 = arith.index_cast %add3A_264 : i32 to index
          %get3A_266 = tpu.vector_load %arg7[%get3A_265] {strides = array<i32>} : memref<16384xi32, #tpu.memory_space<vmem>>, vector<16xi32>,
          %gather3A_267 = tpu.vector_load_idx %arg6[%get3A_266] : memref<100000xf32, #tpu.memory_space<vmem>>[vector<16xi32>], vector<16xf32>,
          %add3A_268 = arith.constant 64 : i32
          %add3A_269 = arith.addi %mul3A_207, %add3A_268 : i32
          %get3A_270 = arith.index_cast %rem3A_133 : i32 to index
          %get3A_271 = arith.index_cast %add3A_269 : i32 to index
          %get3A_272 = tpu.vector_load %arg8[%get3A_270, %get3A_271] {strides = array<i32>} : memref<4x2048xf32, #tpu.memory_space<vmem>>, vector<16xf32>,
          %sub3A_273 = arith.subf %get3A_272, %gather3A_267 : vector<16xf32>
          %mul3A_274 = arith.mulf %sub3A_273, %sub3A_273 : vector<16xf32>
          %add3A_275 = arith.addf %add3A_219, %mul3A_274 : vector<16xf32>
          %add3A_276 = arith.addi %mul3A_194, %mul3A_207 : i32
          %add3A_277 = arith.constant 80 : i32
          %add3A_278 = arith.addi %add3A_276, %add3A_277 : i32
          %get3A_279 = arith.index_cast %add3A_278 : i32 to index
          %get3A_280 = tpu.vector_load %arg7[%get3A_279] {strides = array<i32>} : memref<16384xi32, #tpu.memory_space<vmem>>, vector<16xi32>,
          %gather3A_281 = tpu.vector_load_idx %arg6[%get3A_280] : memref<100000xf32, #tpu.memory_space<vmem>>[vector<16xi32>], vector<16xf32>,
          %add3A_282 = arith.constant 80 : i32
          %add3A_283 = arith.addi %mul3A_207, %add3A_282 : i32
          %get3A_284 = arith.index_cast %rem3A_133 : i32 to index
          %get3A_285 = arith.index_cast %add3A_283 : i32 to index
          %get3A_286 = tpu.vector_load %arg8[%get3A_284, %get3A_285] {strides = array<i32>} : memref<4x2048xf32, #tpu.memory_space<vmem>>, vector<16xf32>,
          %sub3A_287 = arith.subf %get3A_286, %gather3A_281 : vector<16xf32>
          %mul3A_288 = arith.mulf %sub3A_287, %sub3A_287 : vector<16xf32>
          %add3A_289 = arith.addf %add3A_233, %mul3A_288 : vector<16xf32>
          %add3A_290 = arith.addi %mul3A_194, %mul3A_207 : i32
          %add3A_291 = arith.constant 96 : i32
          %add3A_292 = arith.addi %add3A_290, %add3A_291 : i32
          %get3A_293 = arith.index_cast %add3A_292 : i32 to index
          %get3A_294 = tpu.vector_load %arg7[%get3A_293] {strides = array<i32>} : memref<16384xi32, #tpu.memory_space<vmem>>, vector<16xi32>,
          %gather3A_295 = tpu.vector_load_idx %arg6[%get3A_294] : memref<100000xf32, #tpu.memory_space<vmem>>[vector<16xi32>], vector<16xf32>,
          %add3A_296 = arith.constant 96 : i32
          %add3A_297 = arith.addi %mul3A_207, %add3A_296 : i32
          %get3A_298 = arith.index_cast %rem3A_133 : i32 to index
          %get3A_299 = arith.index_cast %add3A_297 : i32 to index
          %get3A_300 = tpu.vector_load %arg8[%get3A_298, %get3A_299] {strides = array<i32>} : memref<4x2048xf32, #tpu.memory_space<vmem>>, vector<16xf32>,
          %sub3A_301 = arith.subf %get3A_300, %gather3A_295 : vector<16xf32>
          %mul3A_302 = arith.mulf %sub3A_301, %sub3A_301 : vector<16xf32>
          %add3A_303 = arith.addf %add3A_247, %mul3A_302 : vector<16xf32>
          %add3A_304 = arith.addi %mul3A_194, %mul3A_207 : i32
          %add3A_305 = arith.constant 112 : i32
          %add3A_306 = arith.addi %add3A_304, %add3A_305 : i32
          %get3A_307 = arith.index_cast %add3A_306 : i32 to index
          %get3A_308 = tpu.vector_load %arg7[%get3A_307] {strides = array<i32>} : memref<16384xi32, #tpu.memory_space<vmem>>, vector<16xi32>,
          %gather3A_309 = tpu.vector_load_idx %arg6[%get3A_308] : memref<100000xf32, #tpu.memory_space<vmem>>[vector<16xi32>], vector<16xf32>,
          %add3A_310 = arith.constant 112 : i32
          %add3A_311 = arith.addi %mul3A_207, %add3A_310 : i32
          %get3A_312 = arith.index_cast %rem3A_133 : i32 to index
          %get3A_313 = arith.index_cast %add3A_311 : i32 to index
          %get3A_314 = tpu.vector_load %arg8[%get3A_312, %get3A_313] {strides = array<i32>} : memref<4x2048xf32, #tpu.memory_space<vmem>>, vector<16xf32>,
          %sub3A_315 = arith.subf %get3A_314, %gather3A_309 : vector<16xf32>
          %mul3A_316 = arith.mulf %sub3A_315, %sub3A_315 : vector<16xf32>
          %add3A_317 = arith.addf %add3A_261, %mul3A_316 : vector<16xf32>
          scf.yield %add3A_275, %add3A_289, %add3A_303, %add3A_317 : vector<16xf32>, vector<16xf32>, vector<16xf32>, vector<16xf32>
        }
        %scan3A_200 = arith.constant 16 : i32
        scf.yield %scan3A_199#0, %scan3A_199#1, %scan3A_199#2, %scan3A_199#3 : vector<16xf32>, vector<16xf32>, vector<16xf32>, vector<16xf32>
      }
      %scan3A_123 = arith.constant 8 : i32
      scf.yield %scan3A_122#0, %scan3A_122#1, %scan3A_122#2, %scan3A_122#3 : vector<16xf32>, vector<16xf32>, vector<16xf32>, vector<16xf32>
    }
    %scan3A_66 = arith.constant 2 : i32
    %dma_wait3A = arith.constant 0 : i32
    %dma_wait3A_67 = arith.constant 0 : i32
    %dma_wait3A_68 = arith.constant 0 : i32
    %dma_wait3A_69 = tpu.memref_slice %arg8[%dma_wait3A_67, %dma_wait3A_68] : memref<4x2048xf32, #tpu.memory_space<vmem>> -> memref<1x2048xf32, #tpu.memory_space<vmem>>
    %dma_wait3A_70 = tpu.memref_squeeze %dma_wait3A_69 : memref<1x2048xf32, #tpu.memory_space<vmem>> -> memref<2048xf32, #tpu.memory_space<vmem>>
    %dma_wait3A_71 = arith.constant 0 : i32
    %dma_wait3A_72 = tpu.memref_slice %arg2[%dma_wait3A, %dma_wait3A_71] : memref<64x16384xf32, #tpu.memory_space<hbm>> -> memref<1x2048xf32, #tpu.memory_space<hbm>>
    %dma_wait3A_73 = tpu.memref_squeeze %dma_wait3A_72 : memref<1x2048xf32, #tpu.memory_space<hbm>> -> memref<2048xf32, #tpu.memory_space<hbm>>
    %dma_wait3A_74 = arith.constant 0 : i32
    %dma_wait3A_75 = tpu.memref_slice %arg8[%dma_wait3A_67, %dma_wait3A_74] : memref<4x2048xf32, #tpu.memory_space<vmem>> -> memref<1x2048xf32, #tpu.memory_space<vmem>>
    %dma_wait3A_76 = tpu.memref_squeeze %dma_wait3A_75 : memref<1x2048xf32, #tpu.memory_space<vmem>> -> memref<2048xf32, #tpu.memory_space<vmem>>
    %dma_wait3A_77 = arith.constant 0 : i32
    %dma_wait3A_78 = tpu.memref_slice %arg2[%dma_wait3A, %dma_wait3A_77] : memref<64x16384xf32, #tpu.memory_space<hbm>> -> memref<1x2048xf32, #tpu.memory_space<hbm>>
    %dma_wait3A_79 = tpu.memref_squeeze %dma_wait3A_78 : memref<1x2048xf32, #tpu.memory_space<hbm>> -> memref<2048xf32, #tpu.memory_space<hbm>>
    tpu.wait_dma2 semaphore(%arg10 : memref<!tpu.dma_semaphore, #tpu.memory_space<semaphore_mem>>) src(%dma_wait3A_79 : memref<2048xf32, #tpu.memory_space<hbm>>) dst(%dma_wait3A_76 : memref<2048xf32, #tpu.memory_space<vmem>>)
    %dma_wait3A_80 = arith.constant 0 : i32
    %dma_wait3A_81 = arith.constant 0 : i32
    %dma_wait3A_82 = arith.constant 0 : i32
    %dma_wait3A_83 = tpu.memref_slice %arg8[%dma_wait3A_81, %dma_wait3A_82] : memref<4x2048xf32, #tpu.memory_space<vmem>> -> memref<1x2048xf32, #tpu.memory_space<vmem>>
    %dma_wait3A_84 = tpu.memref_squeeze %dma_wait3A_83 : memref<1x2048xf32, #tpu.memory_space<vmem>> -> memref<2048xf32, #tpu.memory_space<vmem>>
    %dma_wait3A_85 = arith.constant 0 : i32
    %dma_wait3A_86 = tpu.memref_slice %arg2[%dma_wait3A_80, %dma_wait3A_85] : memref<64x16384xf32, #tpu.memory_space<hbm>> -> memref<1x2048xf32, #tpu.memory_space<hbm>>
    %dma_wait3A_87 = tpu.memref_squeeze %dma_wait3A_86 : memref<1x2048xf32, #tpu.memory_space<hbm>> -> memref<2048xf32, #tpu.memory_space<hbm>>
    %dma_wait3A_88 = arith.constant 0 : i32
    %dma_wait3A_89 = tpu.memref_slice %arg8[%dma_wait3A_81, %dma_wait3A_88] : memref<4x2048xf32, #tpu.memory_space<vmem>> -> memref<1x2048xf32, #tpu.memory_space<vmem>>
    %dma_wait3A_90 = tpu.memref_squeeze %dma_wait3A_89 : memref<1x2048xf32, #tpu.memory_space<vmem>> -> memref<2048xf32, #tpu.memory_space<vmem>>
    %dma_wait3A_91 = arith.constant 0 : i32
    %dma_wait3A_92 = tpu.memref_slice %arg2[%dma_wait3A_80, %dma_wait3A_91] : memref<64x16384xf32, #tpu.memory_space<hbm>> -> memref<1x2048xf32, #tpu.memory_space<hbm>>
    %dma_wait3A_93 = tpu.memref_squeeze %dma_wait3A_92 : memref<1x2048xf32, #tpu.memory_space<hbm>> -> memref<2048xf32, #tpu.memory_space<hbm>>
    tpu.wait_dma2 semaphore(%arg10 : memref<!tpu.dma_semaphore, #tpu.memory_space<semaphore_mem>>) src(%dma_wait3A_93 : memref<2048xf32, #tpu.memory_space<hbm>>) dst(%dma_wait3A_90 : memref<2048xf32, #tpu.memory_space<vmem>>)
    %dma_wait3A_94 = arith.constant 0 : i32
    %dma_wait3A_95 = arith.constant 0 : i32
    %dma_wait3A_96 = arith.constant 0 : i32
    %dma_wait3A_97 = tpu.memref_slice %arg8[%dma_wait3A_95, %dma_wait3A_96] : memref<4x2048xf32, #tpu.memory_space<vmem>> -> memref<1x2048xf32, #tpu.memory_space<vmem>>
    %dma_wait3A_98 = tpu.memref_squeeze %dma_wait3A_97 : memref<1x2048xf32, #tpu.memory_space<vmem>> -> memref<2048xf32, #tpu.memory_space<vmem>>
    %dma_wait3A_99 = arith.constant 0 : i32
    %dma_wait3A_100 = tpu.memref_slice %arg2[%dma_wait3A_94, %dma_wait3A_99] : memref<64x16384xf32, #tpu.memory_space<hbm>> -> memref<1x2048xf32, #tpu.memory_space<hbm>>
    %dma_wait3A_101 = tpu.memref_squeeze %dma_wait3A_100 : memref<1x2048xf32, #tpu.memory_space<hbm>> -> memref<2048xf32, #tpu.memory_space<hbm>>
    %dma_wait3A_102 = arith.constant 0 : i32
    %dma_wait3A_103 = tpu.memref_slice %arg8[%dma_wait3A_95, %dma_wait3A_102] : memref<4x2048xf32, #tpu.memory_space<vmem>> -> memref<1x2048xf32, #tpu.memory_space<vmem>>
    %dma_wait3A_104 = tpu.memref_squeeze %dma_wait3A_103 : memref<1x2048xf32, #tpu.memory_space<vmem>> -> memref<2048xf32, #tpu.memory_space<vmem>>
    %dma_wait3A_105 = arith.constant 0 : i32
    %dma_wait3A_106 = tpu.memref_slice %arg2[%dma_wait3A_94, %dma_wait3A_105] : memref<64x16384xf32, #tpu.memory_space<hbm>> -> memref<1x2048xf32, #tpu.memory_space<hbm>>
    %dma_wait3A_107 = tpu.memref_squeeze %dma_wait3A_106 : memref<1x2048xf32, #tpu.memory_space<hbm>> -> memref<2048xf32, #tpu.memory_space<hbm>>
    tpu.wait_dma2 semaphore(%arg10 : memref<!tpu.dma_semaphore, #tpu.memory_space<semaphore_mem>>) src(%dma_wait3A_107 : memref<2048xf32, #tpu.memory_space<hbm>>) dst(%dma_wait3A_104 : memref<2048xf32, #tpu.memory_space<vmem>>)
    %add3A_108 = arith.addf %scan3A_65#0, %scan3A_65#1 : vector<16xf32>
    %add3A_109 = arith.addf %scan3A_65#2, %scan3A_65#3 : vector<16xf32>
    %add3A_110 = arith.addf %add3A_108, %add3A_109 : vector<16xf32>
    %swap3A = arith.constant 0 : index
    %swap3A_111 = tpu.vector_load %arg9[%swap3A] {strides = array<i32>} : memref<16xf32, #tpu.memory_space<vmem>>, vector<16xf32>,
    tpu.vector_store %arg9[%swap3A], %add3A_110 {strides = array<i32>} : memref<16xf32, #tpu.memory_space<vmem>>, vector<16xf32>,
    "tpu.region"() ({
      %run_scoped3A = tpu.sem_alloc : memref<!tpu.dma_semaphore, #tpu.memory_space<semaphore_mem>>
      %dma_start3A_112 = arith.constant 0 : i32
      %dma_start3A_113 = tpu.memref_slice %arg5[%add3A, %dma_start3A_112] : memref<32x16xf32, #tpu.memory_space<hbm>> -> memref<1x16xf32, #tpu.memory_space<hbm>>
      %dma_start3A_114 = tpu.memref_squeeze %dma_start3A_113 : memref<1x16xf32, #tpu.memory_space<hbm>> -> memref<16xf32, #tpu.memory_space<hbm>>
      %dma_start3A_115 = arith.constant 0 : i32
      %dma_start3A_116 = tpu.memref_slice %arg5[%add3A, %dma_start3A_115] : memref<32x16xf32, #tpu.memory_space<hbm>> -> memref<1x16xf32, #tpu.memory_space<hbm>>
      %dma_start3A_117 = tpu.memref_squeeze %dma_start3A_116 : memref<1x16xf32, #tpu.memory_space<hbm>> -> memref<16xf32, #tpu.memory_space<hbm>>
      tpu.enqueue_dma source(%arg9 : memref<16xf32, #tpu.memory_space<vmem>>) target(%dma_start3A_117 : memref<16xf32, #tpu.memory_space<hbm>>) target_semaphore(%run_scoped3A : memref<!tpu.dma_semaphore, #tpu.memory_space<semaphore_mem>>)
      %dma_wait3A_118 = arith.constant 0 : i32
      %dma_wait3A_119 = tpu.memref_slice %arg5[%add3A, %dma_wait3A_118] : memref<32x16xf32, #tpu.memory_space<hbm>> -> memref<1x16xf32, #tpu.memory_space<hbm>>
      %dma_wait3A_120 = tpu.memref_squeeze %dma_wait3A_119 : memref<1x16xf32, #tpu.memory_space<hbm>> -> memref<16xf32, #tpu.memory_space<hbm>>
      %dma_wait3A_121 = arith.constant 0 : i32
      %dma_wait3A_122 = tpu.memref_slice %arg5[%add3A, %dma_wait3A_121] : memref<32x16xf32, #tpu.memory_space<hbm>> -> memref<1x16xf32, #tpu.memory_space<hbm>>
      %dma_wait3A_123 = tpu.memref_squeeze %dma_wait3A_122 : memref<1x16xf32, #tpu.memory_space<hbm>> -> memref<16xf32, #tpu.memory_space<hbm>>
      tpu.wait_dma2 semaphore(%run_scoped3A : memref<!tpu.dma_semaphore, #tpu.memory_space<semaphore_mem>>) src(%arg9 : memref<16xf32, #tpu.memory_space<vmem>>) dst(%dma_wait3A_123 : memref<16xf32, #tpu.memory_space<hbm>>)
      tpu.yield
    }) : () -> ()
    return
  }
}

</mosaic_0001>

<sc_bundles>
// kernel: kernel.3.cloned.1.call-start
scs
__scs_entry_jumppad:
0x0: {  	(pc) =	sbr.rel $0x88, $3  }
0x1: {  	(tag) =	ssettag $0x0;
	lr =	simm.s32 $0x1  }
0x2: {  	[smem:$0x3F9E] =	sst lr;
	_ =	strace $0xD0000000  }
0x3: {  	_ = 	snop  }
0x4: {  	_ = 	snop  }
0x5: {  	_ = 	snop  }
0x6: {  	_ = 	snop  }
0x7: {  	_ = 	snop  }
__scs_overlays_trampoline_lowered:
0x8: {  	[smem:$0x3FAD] =	sst s0  }
0x9: {  	[smem:$0x3FAE] =	sst s1  }
0xa: {  	[smem:$0x3FAF] =	sst s2  }
0xb: {  	[smem:$0x3FB0] =	sst s3  }
0xc: {  	[smem:$0x3FB1] =	sst s4  }
0xd: {  	[smem:$0x3FB2] =	sst s5  }
0xe: {  	[smem:$0x3FB3] =	sst s6  }
0xf: {  	[smem:$0x3FB4] =	sst s7  }
0x10: {  	[smem:$0x3FB5] =	sst s8  }
0x11: {  	[smem:$0x3FB6] =	sst s9;
	s0 =	simm.s32 @!p0 $0x0  }
0x12: {  	s1 =	sld [smem:$0x3F9C];
	s0 =	simm.s32 @p0 $0x1  }
0x13: {  	[smem:$0x3FB7] =	sst s0;
	s0 =	simm.s32 @!p1 $0x0  }
0x14: {  	s2 =	sld [smem:$0x3F9B];
	s0 =	simm.s32 @p1 $0x1  }
0x15: {  	[smem:$0x3FB8] =	sst s0;
	s0 =	simm.s32 @!p2 $0x0  }
0x16: {  	s3 =	sld [smem:$0x3FDB];
	s0 =	simm.s32 @p2 $0x1  }
0x17: {  	s4 =	simm.s32 $0x1BF5;
	[smem:$0x3FBA] =	sst s0  }
0x18: {  	s0 =	sld [smem:$0x3F9D];
	_ =	swait.ge [sflag:s4], $0x0  }
0x19: {  	s7 =	sld [smem:$0x3F9E]  }
0x1a: {  	s8 =	sadd.s32 $0xFFFFE003, lr  }
0x1b: {  	s9 =	sadd.s32 $0xFFFFFEF7, lr;
	s5 =	simm.s32 $0xFFFFFFFF;
	p2 =	slt.u32 s8, $0xFFFFF086  }
0x1c: {  	p1 =	slt.u32 s9, $0xF7A;
	s5 =	simm.s32 @!p2 $0x0  }
0x1d: {  	s5 =	simm.s32 @p1 $0x1;
	p0 =	seq.s32 s7, s2  }
0x1e: {  	s7 =	smul.u32 @!p0 $0xF7A, s2;
	p2 =	seq.s32 @!p0 s5, $0x0  }
0x1f: {  	s9 =	smul.u32 $0xF7A, s1;
	s8 =	simm.s32 @!p0 $0x1BF5;
	p2 =	por !p2, p0  }
0x20: {  	[sflag:s8] =	ssyncset.s32 @!p0 $0xFFFFF086;
	s6 =	sadd.s32 @!p0 s3, s7;
	s7 =	simm.s32 @!p0 $0x108  }
0x21: {  	s3 =	sadd.s32 s3, s9;
	s6 =	sadd.s32 @!p0 $0x88, s6;
	s7 =	simm.s32 @p2 $0x1082  }
0x22: {  	[simem:s7], [sflag:s8] =	dma.local @!p0 [hbm:s6], $0xF7A  }
0x23: {  	s9 =	sor.u32 $0xD0000000, s2;
	s6 =	simm.s32 $0x108;
	_ =	swait.ge @!p0 [sflag:s8], $0x0  }
0x24: {  	s3 =	sadd.s32 $0x88, s3;
	s6 =	simm.s32 @!p1 $0x1082;
	[sflag:s4] =	ssyncset.s32 $0xFFFFF086  }
0x25: {  	[simem:s6], [sflag:s4] =	dma.local [hbm:s3], $0xF7A  }
0x26: {  	[smem:$0x3F9E] =	sst s1;
	(tag) =	ssettag s2;
	_ =	strace s9  }
0x27: {  	s1 =	sld [smem:$0x3FAE]  }
0x28: {  	s2 =	sld [smem:$0x3FAF]  }
0x29: {  	s4 =	sld [smem:$0x3FB1]  }
0x2a: {  	p0 =	seq.s32 s5, $0x0;
	s5 =	sld [smem:$0x3FB2]  }
0x2b: {  	s6 =	sld [smem:$0x3FB3]  }
0x2c: {  	s7 =	sld [smem:$0x3FB4]  }
0x2d: {  	s3 =	simm.s32 $0x108;
	s8 =	sld [smem:$0x3FB5]  }
0x2e: {  	s3 =	simm.s32 @!p0 $0x1082;
	s9 =	sld [smem:$0x3FB6]  }
0x2f: {  	lr =	sadd.s32 s0, s3;
	s0 =	sld [smem:$0x3FAD]  }
0x30: {  	s3 =	sld [smem:$0x3FB0]  }
0x31: {  	[smem:$0x3FB9] =	sst s10  }
0x32: {  	s10 =	sld [smem:$0x3FB7];
	_ =	sdelay $0x3  }
0x33: {  	p0 =	seq.s32 s10, $0x1;
	s10 =	sld [smem:$0x3FB9];
	_ =	sdelay $0x3  }
0x34: {  	[smem:$0x3FB9] =	sst s10  }
0x35: {  	s10 =	sld [smem:$0x3FB8];
	_ =	sdelay $0x3  }
0x36: {  	p1 =	seq.s32 s10, $0x1;
	s10 =	sld [smem:$0x3FB9];
	_ =	sdelay $0x3  }
0x37: {  	[smem:$0x3FB9] =	sst s10  }
0x38: {  	s10 =	sld [smem:$0x3FBA]  }
0x39: {  	_ = 	snop;
	(pc) =	sbr.ind lr, $3  }
0x3a: {  	_ = 	snop  }
0x3b: {  	_ = 	snop  }
0x3c: {  	p2 =	seq.s32 s10, $0x1;
	s10 =	sld [smem:$0x3FB9]  }
0x3d: {  	_ =	shalt  }
0x3e: {  	_ =	shalt  }
0x3f: {  	_ =	shalt  }
0x40: {  	_ =	shalt  }
0x41: {  	_ =	shalt  }
0x42: {  	_ =	shalt  }
0x43: {  	_ =	shalt  }
0x44: {  	_ =	shalt  }
0x45: {  	_ =	shalt  }
0x46: {  	_ =	shalt  }
0x47: {  	_ =	shalt  }
0x48: {  	_ =	shalt  }
0x49: {  	_ =	shalt  }
0x4a: {  	_ =	shalt  }
0x4b: {  	_ =	shalt  }
0x4c: {  	_ =	shalt  }
0x4d: {  	_ =	shalt  }
0x4e: {  	_ =	shalt  }
0x4f: {  	_ =	shalt  }
0x50: {  	_ =	shalt  }
0x51: {  	_ =	shalt  }
0x52: {  	_ =	shalt  }
0x53: {  	_ =	shalt  }
0x54: {  	_ =	shalt  }
0x55: {  	_ =	shalt  }
0x56: {  	_ =	shalt  }
0x57: {  	_ =	shalt  }
0x58: {  	_ =	shalt  }
0x59: {  	_ =	shalt  }
0x5a: {  	_ =	shalt  }
0x5b: {  	_ =	shalt  }
0x5c: {  	_ =	shalt  }
0x5d: {  	_ =	shalt  }
0x5e: {  	_ =	shalt  }
0x5f: {  	_ =	shalt  }
0x60: {  	_ =	shalt  }
0x61: {  	_ =	shalt  }
0x62: {  	_ =	shalt  }
0x63: {  	_ =	shalt  }
0x64: {  	_ =	shalt  }
0x65: {  	_ =	shalt  }
0x66: {  	_ =	shalt  }
0x67: {  	_ =	shalt  }
0x68: {  	_ =	shalt  }
0x69: {  	_ =	shalt  }
0x6a: {  	_ =	shalt  }
0x6b: {  	_ =	shalt  }
0x6c: {  	_ =	shalt  }
0x6d: {  	_ =	shalt  }
0x6e: {  	_ =	shalt  }
0x6f: {  	_ =	shalt  }
0x70: {  	_ =	shalt  }
0x71: {  	_ =	shalt  }
0x72: {  	_ =	shalt  }
0x73: {  	_ =	shalt  }
0x74: {  	_ =	shalt  }
0x75: {  	_ =	shalt  }
0x76: {  	_ =	shalt  }
0x77: {  	_ =	shalt  }
0x78: {  	_ =	shalt  }
0x79: {  	_ =	shalt  }
0x7a: {  	_ =	shalt  }
0x7b: {  	_ =	shalt  }
0x7c: {  	_ =	shalt  }
0x7d: {  	_ =	shalt  }
0x7e: {  	_ =	shalt  }
0x7f: {  	_ =	shalt  }
0x80: {  	_ =	shalt  }
0x81: {  	_ =	shalt  }
0x82: {  	_ =	shalt  }
0x83: {  	_ =	shalt  }
0x84: {  	_ =	shalt  }
0x85: {  	_ =	shalt  }
0x86: {  	_ =	shalt  }
0x87: {  	_ =	shalt  }
.Lfunc_end0:
.L_simem_size_0:
called_computation_lowered:
.L_overlay_start_0:
0x88: {  	s2 =	sld [smem:$0x3FD9]  }
0x89: {  	s3 =	sld [smem:$0x3FFE];
	_ =	sdelay $0x1  }
0x8a: {  	s1 =	srdreg.scid  }
0x8b: {  	s0 =	sand.u32 $0x1, s1  }
0x8c: {  	s17 =	sshll.u32 s0, $0xA;
	s2 =	sadd.s32 s3, s2  }
0x8d: {  	s2 =	sadd.s32 s2, s17  }
0x8e: {  	[smem:$0x3FC5] =	sst s2  }
0x8f: {  	_ = 	snop  }
0x90: {  	s2 =	sld [smem:$0x3FC9]  }
0x91: {  	s18 =	sld [smem:$0x3FC8]  }
0x92: {  	s4 =	sld [smem:$0x3FC7];
	(tm) =	ssettm $0x1  }
0x93: {  	s5 =	sld [smem:$0x3FFB];
	_ =	sdelay $0x3  }
0x94: {  	_ =	strace s5  }
0x95: {  	s5 =	sld [smem:$0x3FFC];
	_ =	sdelay $0x3  }
0x96: {  	_ =	strace s5  }
0x97: {  	s5 =	sld [smem:$0x3FFD];
	_ =	sdelay $0x3  }
0x98: {  	_ =	strace s5  }
0x99: {  	_ =	strace $0x8FFFFFFF  }
0x9a: {  	s19 =	sld [smem:$0x3FDB];
	_ =	sdelay $0x1  }
0x9b: {  	s6 =	simm.s32 $_scs_section_size  }
0x9c: {  	s7 =	simm.s32 $_size__tile_overlayer_lowered;
	s8 =	simm.s32 $_tile_overlayer_lowered  }
0x9d: {  	s22 =	simm.s32 $0x1BFF;
	s21 =	sshll.u32 s8, $0x1;
	s5 =	sadd.s32 s6, s19  }
0x9e: {  	s9 =	simm.s32 $0x0;
	s20 =	sshll.u32 s7, $0x1;
	s7 =	sadd.s32 s21, s5  }
0x9f: {  	[timem:s9], [sflag:s22] =	dma.local [hbm:s7], s20  }
0xa0: {  	_ =	swait.ge [sflag:s22], s20  }
0xa1: {  	s6 =	ssub.s32 $0x0, s20;
	[sflag:s22] =	ssyncset.done $0x0  }
0xa2: {  	[sflag:s22] =	ssyncadd.s32 s6;
	_ =	sdelay $0x1  }
0xa3: {  	s23 =	simm.s32 $0x1B8B  }
0xa4: {  	_ =	swait.ge [sflag:s23], $0x1  }
0xa5: {  	[sflag:s23] =	ssyncset.done $0x0  }
0xa6: {  	s25 =	simm.s32 $0x1B8E;
	s24 =	sld [smem:$0x3FFE];
	[sflag:s23] =	ssyncadd.s32 $0xFFFFFFFF  }
0xa7: {  	s26 =	simm.s32 $execute0_lowered;
	[smem:$0x3FD2] =	sst s25  }
0xa8: {  	s7 =	sshll.u32 s26, $0x1;
	_ =	strace $0x80000046;
	[dreg:$0x1] =	wrdreg $0xFFFFFFFF  }
0xa9: {  	s28 =	simm.s32 $_size_execute0_lowered;
	s5 =	sadd.s32 s5, s7;
	[dreg:$0x0] =	wrdreg $0x0  }
0xaa: {  	s7 =	sshll.u32 s28, $0x1;
	[dreg:$0x2] =	wrdreg s5  }
0xab: {  	[dreg:$0x3] =	wrdreg s7  }
0xac: {  	[dreg:$0x4] =	wrdreg $0xC0  }
0xad: {  	_ =	task [dreg:s9], $0x5FFFF  }
0xae: {  	[dreg:$0x1] =	wrdreg $0xFFFFFFFF  }
0xaf: {  	[dreg:$0x0] =	wrdreg $0x60  }
0xb0: {  	[dreg:$0x2] =	wrdreg s2  }
0xb1: {  	[dreg:$0x3] =	wrdreg s18  }
0xb2: {  	[dreg:$0x4] =	wrdreg s4  }
0xb3: {  	[dreg:$0x5] =	wrdreg s24  }
0xb4: {  	[dreg:$0x6] =	wrdreg $0x9  }
0xb5: {  	_ =	task.clear_ibuf [dreg:s9], $0x7FFFF;
	_ =	strace $0x90000046  }
0xb6: {  	s29 =	simm.s32 $0x9;
	_ =	strace $0x80000048  }
0xb7: {  	_ =	swait.ge [sflag:s29], $0x1  }
0xb8: {  	[sflag:s29] =	ssyncadd.s32 $0xFFFFFFFF  }
0xb9: {  	_ =	strace $0x90000048  }
0xba: {  	_ =	sfence  }
0xbb: {  	s30 =	sld [smem:$0x0];
	_ =	sdelay $0x2  }
0xbc: {  	s31 =	sshll.u32 s1, $0xD;
	s1 =	sshrl.u32 s1, $0x2  }
0xbd: {  	s3 =	sand.u32 $0x4000, s31;
	s1 =	sadd.s32 s1, s30  }
0xbe: {  	s0 =	sor.u32 s3, s0;
	s1 =	sshll.u32 s1, $0x11  }
0xbf: {  	s0 =	sor.u32 s1, s0  }
0xc0: {  	s0 =	sadd.s32 $0x8F2B, s0  }
0xc1: {  	[sflag:s0] =	ssyncadd.remote.s32 $0x1  }
0xc2: {  	_ =	sfence.sel $0xFFFF  }
0xc3: {  	[dreg:$0x0] =	wrdreg $0xFFFFFFFF;
	(pc) =	sbr.abs _section_cstart, $3  }
0xc4: {  	[dreg:$0x1] =	wrdreg $0xFFFFFFFF  }
0xc5: {  	_ =	task.clear_ibuf [dreg:s9], $0x2FFFF;
	_ =	strace $0x9FFFFFFF  }
0xc6: {  	(tm) =	ssettm $0x7FFFFFFF  }
0xc7: {  	_ =	shalt  }
tec
execute0_lowered:
.L_overlay_start_1:
0x0: {  	(tag) =	ssettag $0x1  }
0x1: {  	s1 =	rddreg [dreg:$0x0]  }
0x2: {  	s0 =	srdreg.scid;
	s4 =	rddreg [dreg:$0x2]  }
0x3: {  	s9 =	stileid.u32;
	s3 =	rddreg [dreg:$0x3]  }
0x4: {  	s5 =	simm.s32 $0x0;
	s14 =	simm.s32 $0x2;
	s28 =	simm.s32 $0x80  }
0x5: {  	s29 =	simm.s32 $0x400;
	s30 =	simm.s32 $0x1;
	s0 =	sand.u32 $0x1, s0  }
0x6: {  	s2 =	sshll.u32 s9, $0x1;
	s6 =	sshll.u32 s9, $0xD;
	[smem:$0x7FF] =	sst s5  }
0x7: {  	s10 =	sshrl.u32 s9, $0x1;
	s2 =	sor.u32 s0, s2;
	s0 =	ssub.s32 $0x2, s0  }
0x8: {  	_ =	strace $0x80000047;
	s7 =	sshll.u32 s2, $0x5;
	s31 =	sshrl.u32 s0, $0x1  }
0x9: {  	s10 =	smul.u32 $0xC3800, s10;
	s6 =	sor.u32 s6, s7;
	s0 =	ssub.s32 s0, s31  }
0xa: {  	s7 =	sshll.u32 s2, $0x1;
	s2 =	sshll.u32 s2, $0x4;
	s6 =	sand.u32 $0x1C060, s6  }
0xb: {  	s11 =	sadd.s32 s3, s2;
	s12 =	smax.u32 s0, $0x1;
	s6 =	sadd.s32 s1, s6  }
0xc: {  	s3 =	simm.s32 $0x0;
	s8 =	sadd.s32 $0x800, s6;
	s9 =	sadd.s32 $0x1000, s6  }
0xd: {  	s16 =	sadd.s32 $0x80, s6;
	s18 =	sadd.s32 $0x100, s6;
	s20 =	sadd.s32 $0x180, s6  }
0xe: {  	s22 =	sadd.s32 $0x200, s6;
	s24 =	sadd.s32 $0x280, s6;
	s26 =	sadd.s32 $0x300, s6  }
.LBB2_1:
0xf: {  	s0 =	rddreg [dreg:$0x1];
	s2 =	simm.s32 $0x18700  }
0x10: {  	[tilespmem:s2], [sflag:$0x2] =	stream.linear.gather [hbm4b:s0+s5], $0x4000, $0x38;
	[tilespmem:$0x1E780] =	vst v63  }
0x11: {  	_ =	swait.ge [sflag:s14], $0x4000  }
0x12: {  	[sflag:s14] =	ssyncset.done $0x0  }
0x13: {  	s21 =	simm.s32 $0x1C700;
	[sflag:s14] =	ssyncadd.s32 $0xFFFFC000  }
0x14: {  	[tilespmem:s21], [sflag:$0x1] =	stream.linear.gather [hbm4b:s6+s5], $0x80, $0x38;
	[tilespmem:$0x1E780] =	vst v63  }
0x15: {  	s23 =	simm.s32 $0x1C900  }
0x16: {  	[tilespmem:s23], [sflag:$0x1] =	stream.linear.gather [hbm4b:s16+s5], $0x80, $0x38;
	[tilespmem:$0x1E780] =	vst v63  }
0x17: {  	s25 =	simm.s32 $0x1CB00  }
0x18: {  	[tilespmem:s25], [sflag:$0x1] =	stream.linear.gather [hbm4b:s18+s5], $0x80, $0x38;
	[tilespmem:$0x1E780] =	vst v63  }
0x19: {  	s31 =	simm.s32 $0x1CD00  }
0x1a: {  	[tilespmem:s31], [sflag:$0x1] =	stream.linear.gather [hbm4b:s20+s5], $0x80, $0x38;
	[tilespmem:$0x1E780] =	vst v63  }
0x1b: {  	s2 =	simm.s32 $0x1CF00  }
0x1c: {  	[tilespmem:s2], [sflag:$0x1] =	stream.linear.gather [hbm4b:s22+s5], $0x80, $0x38;
	[tilespmem:$0x1E780] =	vst v63  }
0x1d: {  	s13 =	simm.s32 $0x1D100  }
0x1e: {  	[tilespmem:s13], [sflag:$0x1] =	stream.linear.gather [hbm4b:s24+s5], $0x80, $0x38;
	[tilespmem:$0x1E780] =	vst v63  }
0x1f: {  	s15 =	simm.s32 $0x1D300  }
0x20: {  	[tilespmem:s15], [sflag:$0x1] =	stream.linear.gather [hbm4b:s26+s5], $0x80, $0x38;
	[tilespmem:$0x1E780] =	vst v63  }
0x21: {  	s17 =	sadd.s32 $0x380, s6;
	s19 =	simm.s32 $0x1D500  }
0x22: {  	[tilespmem:s19], [sflag:$0x1] =	stream.linear.gather [hbm4b:s17+s5], $0x80, $0x38;
	[tilespmem:$0x1E780] =	vst v63  }
0x23: {  	s21 =	sadd.s32 $0x400, s6;
	s23 =	simm.s32 $0x1D700  }
0x24: {  	[tilespmem:s23], [sflag:$0x1] =	stream.linear.gather [hbm4b:s21+s5], $0x80, $0x38;
	[tilespmem:$0x1E780] =	vst v63  }
0x25: {  	s25 =	sadd.s32 $0x480, s6;
	s31 =	simm.s32 $0x1D900  }
0x26: {  	[tilespmem:s31], [sflag:$0x1] =	stream.linear.gather [hbm4b:s25+s5], $0x80, $0x38;
	[tilespmem:$0x1E780] =	vst v63  }
0x27: {  	s13 =	sadd.s32 $0x500, s6;
	s15 =	simm.s32 $0x1DB00  }
0x28: {  	[tilespmem:s15], [sflag:$0x1] =	stream.linear.gather [hbm4b:s13+s5], $0x80, $0x38;
	[tilespmem:$0x1E780] =	vst v63  }
0x29: {  	s17 =	sadd.s32 $0x580, s6;
	s19 =	simm.s32 $0x1DD00  }
0x2a: {  	[tilespmem:s19], [sflag:$0x1] =	stream.linear.gather [hbm4b:s17+s5], $0x80, $0x38;
	[tilespmem:$0x1E780] =	vst v63  }
0x2b: {  	s21 =	sadd.s32 $0x600, s6;
	s23 =	simm.s32 $0x1DF00  }
0x2c: {  	[tilespmem:s23], [sflag:$0x1] =	stream.linear.gather [hbm4b:s21+s5], $0x80, $0x38;
	[tilespmem:$0x1E780] =	vst v63  }
0x2d: {  	s25 =	sadd.s32 $0x680, s6;
	s31 =	simm.s32 $0x1E100  }
0x2e: {  	[tilespmem:s31], [sflag:$0x1] =	stream.linear.gather [hbm4b:s25+s5], $0x80, $0x38;
	[tilespmem:$0x1E780] =	vst v63  }
0x2f: {  	s2 =	sadd.s32 $0x700, s6;
	s13 =	simm.s32 $0x1E300  }
0x30: {  	[tilespmem:s13], [sflag:$0x1] =	stream.linear.gather [hbm4b:s2+s5], $0x80, $0x38;
	[tilespmem:$0x1E780] =	vst v63  }
0x31: {  	s15 =	sadd.s32 $0x780, s6;
	s17 =	simm.s32 $0x1E500  }
0x32: {  	[tilespmem:s17], [sflag:$0x1] =	stream.linear.gather [hbm4b:s15+s5], $0x80, $0x38;
	[tilespmem:$0x1E780] =	vst v63  }
0x33: {  	s19 =	simm.s32 $0x1C780  }
0x34: {  	[tilespmem:s19], [sflag:$0x1] =	stream.linear.gather [hbm4b:s8+s5], $0x80, $0x38;
	[tilespmem:$0x1E780] =	vst v63  }
0x35: {  	s21 =	sadd.s32 $0x80, s8;
	s23 =	simm.s32 $0x1C980  }
0x36: {  	[tilespmem:s23], [sflag:$0x1] =	stream.linear.gather [hbm4b:s21+s5], $0x80, $0x38;
	[tilespmem:$0x1E780] =	vst v63  }
0x37: {  	s25 =	sadd.s32 $0x100, s8;
	s31 =	simm.s32 $0x1CB80  }
0x38: {  	[tilespmem:s31], [sflag:$0x1] =	stream.linear.gather [hbm4b:s25+s5], $0x80, $0x38;
	[tilespmem:$0x1E780] =	vst v63  }
0x39: {  	s13 =	sadd.s32 $0x180, s8;
	s15 =	simm.s32 $0x1CD80  }
0x3a: {  	[tilespmem:s15], [sflag:$0x1] =	stream.linear.gather [hbm4b:s13+s5], $0x80, $0x38;
	[tilespmem:$0x1E780] =	vst v63  }
0x3b: {  	s17 =	sadd.s32 $0x200, s8;
	s19 =	simm.s32 $0x1CF80  }
0x3c: {  	[tilespmem:s19], [sflag:$0x1] =	stream.linear.gather [hbm4b:s17+s5], $0x80, $0x38;
	[tilespmem:$0x1E780] =	vst v63  }
0x3d: {  	s21 =	sadd.s32 $0x280, s8;
	s23 =	simm.s32 $0x1D180  }
0x3e: {  	[tilespmem:s23], [sflag:$0x1] =	stream.linear.gather [hbm4b:s21+s5], $0x80, $0x38;
	[tilespmem:$0x1E780] =	vst v63  }
0x3f: {  	s25 =	sadd.s32 $0x300, s8;
	s31 =	simm.s32 $0x1D380  }
0x40: {  	[tilespmem:s31], [sflag:$0x1] =	stream.linear.gather [hbm4b:s25+s5], $0x80, $0x38;
	[tilespmem:$0x1E780] =	vst v63  }
0x41: {  	s13 =	sadd.s32 $0x380, s8;
	s15 =	simm.s32 $0x1D580  }
0x42: {  	[tilespmem:s15], [sflag:$0x1] =	stream.linear.gather [hbm4b:s13+s5], $0x80, $0x38;
	[tilespmem:$0x1E780] =	vst v63  }
0x43: {  	s17 =	sadd.s32 $0x400, s8;
	s19 =	simm.s32 $0x1D780  }
0x44: {  	[tilespmem:s19], [sflag:$0x1] =	stream.linear.gather [hbm4b:s17+s5], $0x80, $0x38;
	[tilespmem:$0x1E780] =	vst v63  }
0x45: {  	s21 =	sadd.s32 $0x480, s8;
	s23 =	simm.s32 $0x1D980  }
0x46: {  	[tilespmem:s23], [sflag:$0x1] =	stream.linear.gather [hbm4b:s21+s5], $0x80, $0x38;
	[tilespmem:$0x1E780] =	vst v63  }
0x47: {  	s25 =	sadd.s32 $0x500, s8;
	s31 =	simm.s32 $0x1DB80  }
0x48: {  	[tilespmem:s31], [sflag:$0x1] =	stream.linear.gather [hbm4b:s25+s5], $0x80, $0x38;
	[tilespmem:$0x1E780] =	vst v63  }
0x49: {  	s13 =	sadd.s32 $0x580, s8;
	s15 =	simm.s32 $0x1DD80  }
0x4a: {  	[tilespmem:s15], [sflag:$0x1] =	stream.linear.gather [hbm4b:s13+s5], $0x80, $0x38;
	[tilespmem:$0x1E780] =	vst v63  }
0x4b: {  	s17 =	sadd.s32 $0x600, s8;
	s19 =	simm.s32 $0x1DF80  }
0x4c: {  	[tilespmem:s19], [sflag:$0x1] =	stream.linear.gather [hbm4b:s17+s5], $0x80, $0x38;
	[tilespmem:$0x1E780] =	vst v63  }
0x4d: {  	s21 =	sadd.s32 $0x680, s8;
	s23 =	simm.s32 $0x1E180  }
0x4e: {  	[tilespmem:s23], [sflag:$0x1] =	stream.linear.gather [hbm4b:s21+s5], $0x80, $0x38;
	[tilespmem:$0x1E780] =	vst v63  }
0x4f: {  	s25 =	sadd.s32 $0x700, s8;
	s31 =	simm.s32 $0x1E380  }
0x50: {  	[tilespmem:s31], [sflag:$0x1] =	stream.linear.gather [hbm4b:s25+s5], $0x80, $0x38;
	[tilespmem:$0x1E780] =	vst v63  }
0x51: {  	s2 =	sadd.s32 $0x780, s8;
	s13 =	simm.s32 $0x1E580  }
0x52: {  	[tilespmem:s13], [sflag:$0x1] =	stream.linear.gather [hbm4b:s2+s5], $0x80, $0x38;
	[tilespmem:$0x1E780] =	vst v63  }
0x53: {  	s15 =	simm.s32 $0x1C800  }
0x54: {  	[tilespmem:s15], [sflag:$0x1] =	stream.linear.gather [hbm4b:s9+s5], $0x80, $0x38;
	[tilespmem:$0x1E780] =	vst v63  }
0x55: {  	s17 =	sadd.s32 $0x80, s9;
	s19 =	simm.s32 $0x1CA00  }
0x56: {  	[tilespmem:s19], [sflag:$0x1] =	stream.linear.gather [hbm4b:s17+s5], $0x80, $0x38;
	[tilespmem:$0x1E780] =	vst v63  }
0x57: {  	s21 =	sadd.s32 $0x100, s9;
	s23 =	simm.s32 $0x1CC00  }
0x58: {  	[tilespmem:s23], [sflag:$0x1] =	stream.linear.gather [hbm4b:s21+s5], $0x80, $0x38;
	[tilespmem:$0x1E780] =	vst v63  }
0x59: {  	s25 =	sadd.s32 $0x180, s9;
	s31 =	simm.s32 $0x1CE00  }
0x5a: {  	[tilespmem:s31], [sflag:$0x1] =	stream.linear.gather [hbm4b:s25+s5], $0x80, $0x38;
	[tilespmem:$0x1E780] =	vst v63  }
0x5b: {  	s13 =	sadd.s32 $0x200, s9;
	s15 =	simm.s32 $0x1D000  }
0x5c: {  	[tilespmem:s15], [sflag:$0x1] =	stream.linear.gather [hbm4b:s13+s5], $0x80, $0x38;
	[tilespmem:$0x1E780] =	vst v63  }
0x5d: {  	s17 =	sadd.s32 $0x280, s9;
	s19 =	simm.s32 $0x1D200  }
0x5e: {  	[tilespmem:s19], [sflag:$0x1] =	stream.linear.gather [hbm4b:s17+s5], $0x80, $0x38;
	[tilespmem:$0x1E780] =	vst v63  }
0x5f: {  	s21 =	sadd.s32 $0x300, s9;
	s23 =	simm.s32 $0x1D400  }
0x60: {  	[tilespmem:s23], [sflag:$0x1] =	stream.linear.gather [hbm4b:s21+s5], $0x80, $0x38;
	[tilespmem:$0x1E780] =	vst v63  }
0x61: {  	s25 =	sadd.s32 $0x380, s9;
	s31 =	simm.s32 $0x1D600  }
0x62: {  	[tilespmem:s31], [sflag:$0x1] =	stream.linear.gather [hbm4b:s25+s5], $0x80, $0x38;
	[tilespmem:$0x1E780] =	vst v63  }
0x63: {  	s13 =	sadd.s32 $0x400, s9;
	s15 =	simm.s32 $0x1D800  }
0x64: {  	[tilespmem:s15], [sflag:$0x1] =	stream.linear.gather [hbm4b:s13+s5], $0x80, $0x38;
	[tilespmem:$0x1E780] =	vst v63  }
0x65: {  	s17 =	sadd.s32 $0x480, s9;
	s19 =	simm.s32 $0x1DA00  }
0x66: {  	[tilespmem:s19], [sflag:$0x1] =	stream.linear.gather [hbm4b:s17+s5], $0x80, $0x38;
	[tilespmem:$0x1E780] =	vst v63  }
0x67: {  	s21 =	sadd.s32 $0x500, s9;
	s23 =	simm.s32 $0x1DC00  }
0x68: {  	[tilespmem:s23], [sflag:$0x1] =	stream.linear.gather [hbm4b:s21+s5], $0x80, $0x38;
	[tilespmem:$0x1E780] =	vst v63  }
0x69: {  	s25 =	sadd.s32 $0x580, s9;
	s31 =	simm.s32 $0x1DE00  }
0x6a: {  	[tilespmem:s31], [sflag:$0x1] =	stream.linear.gather [hbm4b:s25+s5], $0x80, $0x38;
	[tilespmem:$0x1E780] =	vst v63  }
0x6b: {  	s13 =	sadd.s32 $0x600, s9;
	s15 =	simm.s32 $0x1E000  }
0x6c: {  	[tilespmem:s15], [sflag:$0x1] =	stream.linear.gather [hbm4b:s13+s5], $0x80, $0x38;
	[tilespmem:$0x1E780] =	vst v63  }
0x6d: {  	s17 =	sadd.s32 $0x680, s9;
	s19 =	simm.s32 $0x1E200  }
0x6e: {  	[tilespmem:s19], [sflag:$0x1] =	stream.linear.gather [hbm4b:s17+s5], $0x80, $0x38;
	[tilespmem:$0x1E780] =	vst v63  }
0x6f: {  	p1 =	por $0x1, $0x1;
	s21 =	sadd.s32 $0x700, s9;
	s23 =	simm.s32 $0x1E400  }
0x70: {  	[tilespmem:s23], [sflag:$0x1] =	stream.linear.gather [hbm4b:s21+s5], $0x80, $0x38;
	[tilespmem:$0x1E780] =	vst v63  }
0x71: {  	v0 =	vimm.f32 $0.0e+00;
	s2 =	simm.s32 $0x0;
	s25 =	sadd.s32 $0x780, s9;
	s31 =	simm.s32 $0x1E600  }
0x72: {  	v1 =	vimm.f32 $0.0e+00;
	v2 =	vimm.f32 $0.0e+00;
	v3 =	vimm.f32 $0.0e+00;
	[tilespmem:s31], [sflag:$0x1] =	stream.linear.gather [hbm4b:s25+s5], $0x80, $0x38;
	[tilespmem:$0x1E780] =	vst v63  }
.LBB2_2:
0x73: {  	s0 =	sor.u32 s7, s2  }
0x74: {  	s0 =	sshll.u32 s0, $0x7  }
0x75: {  	s0 =	sand.u32 $0x380, s0  }
0x76: {  	s0 =	sor.u32 s10, s0  }
0x77: {  	s0 =	sshrl.u32 s0, $0x3  }
0x78: {  	s13 =	sadd.s32 s4, s0;
	s0 =	simm.s32 $0x0  }
0x79: {  	[tilespmem:s0], [sflag:$0x2] =	stream.strided.gather [hbm4b:s13+s28], $0x18700, s29, s28, $0x38;
	[tilespmem:$0x1E780] =	vst v63  }
0x7a: {  	s31 =	sshll.u32 s2, $0x3;
	p0 =	por p1, p1;
	_ =	swait.ge [sflag:s14], $0x18700  }
0x7b: {  	s19 =	simm.s32 $0x18740;
	s15 =	simm.s32 $0x0;
	[sflag:s14] =	ssyncset.done $0x0  }
0x7c: {  	s17 =	simm.s32 $0x0;
	s2 =	sor.u32 $0x3, s31;
	[sflag:s14] =	ssyncadd.s32 $0xFFFE7900  }
.LBB2_3:
0x7d: {  	s13 =	sadd.s32 s17, s2  }
0x7e: {  	p1 =	slt.s32 s13, $0xF  }
0x7f: {  	s21 =	sshll.u32 s13, $0x7;
	s13 =	simm.s32 @!p1 $0xF  }
0x80: {  	s23 =	sshrl.u32 s13, $0x3  }
0x81: {  	_ =	swait.ge [sflag:s30], $0x800;
	s23 =	sor.u32 s7, s23  }
0x82: {  	s13 =	sand.u32 $0x7, s13;
	s25 =	sand.u32 $0x3FFF8, s23;
	s23 =	sshll.u32 s23, $0x4  }
0x83: {  	[sflag:s30] =	ssyncset.done $0x0;
	s13 =	sor.u32 s13, s25;
	s23 =	sand.u32 $0x70, s23  }
0x84: {  	s21 =	sand.u32 $0x180, s21;
	s13 =	sshll.u32 s13, $0xB;
	s23 =	sadd.s32 s1, s23  }
0x85: {  	[sflag:s30] =	ssyncadd.s32 $0xFFFFF800;
	s31 =	sadd.s32 $0x1C700, s21;
	s13 =	sadd.s32 s13, s23  }
0x86: {  	[tilespmem:s31], [sflag:$0x1] =	stream.linear.gather [hbm4b:s13+s0], $0x80, $0x38;
	[tilespmem:$0x1E780] =	vst v63  }
0x87: {  	s23 =	sadd.s32 $0x80, s13;
	s31 =	sadd.s32 $0x1C900, s21  }
0x88: {  	[tilespmem:s31], [sflag:$0x1] =	stream.linear.gather [hbm4b:s23+s0], $0x80, $0x38;
	[tilespmem:$0x1E780] =	vst v63  }
0x89: {  	s25 =	sadd.s32 $0x100, s13;
	s31 =	sadd.s32 $0x1CB00, s21  }
0x8a: {  	[tilespmem:s31], [sflag:$0x1] =	stream.linear.gather [hbm4b:s25+s0], $0x80, $0x38;
	[tilespmem:$0x1E780] =	vst v63  }
0x8b: {  	s25 =	sadd.s32 $0x180, s13;
	s31 =	sadd.s32 $0x1CD00, s21  }
0x8c: {  	[tilespmem:s31], [sflag:$0x1] =	stream.linear.gather [hbm4b:s25+s0], $0x80, $0x38;
	[tilespmem:$0x1E780] =	vst v63  }
0x8d: {  	s25 =	sadd.s32 $0x200, s13;
	s31 =	sadd.s32 $0x1CF00, s21  }
0x8e: {  	[tilespmem:s31], [sflag:$0x1] =	stream.linear.gather [hbm4b:s25+s0], $0x80, $0x38;
	[tilespmem:$0x1E780] =	vst v63  }
0x8f: {  	s25 =	sadd.s32 $0x280, s13;
	s31 =	sadd.s32 $0x1D100, s21  }
0x90: {  	[tilespmem:s31], [sflag:$0x1] =	stream.linear.gather [hbm4b:s25+s0], $0x80, $0x38;
	[tilespmem:$0x1E780] =	vst v63  }
0x91: {  	s25 =	sadd.s32 $0x300, s13;
	s31 =	sadd.s32 $0x1D300, s21  }
0x92: {  	[tilespmem:s31], [sflag:$0x1] =	stream.linear.gather [hbm4b:s25+s0], $0x80, $0x38;
	[tilespmem:$0x1E780] =	vst v63  }
0x93: {  	s25 =	sadd.s32 $0x380, s13;
	s31 =	sadd.s32 $0x1D500, s21  }
0x94: {  	[tilespmem:s31], [sflag:$0x1] =	stream.linear.gather [hbm4b:s25+s0], $0x80, $0x38;
	[tilespmem:$0x1E780] =	vst v63  }
0x95: {  	s25 =	sadd.s32 $0x400, s13;
	s31 =	sadd.s32 $0x1D700, s21  }
0x96: {  	[tilespmem:s31], [sflag:$0x1] =	stream.linear.gather [hbm4b:s25+s0], $0x80, $0x38;
	[tilespmem:$0x1E780] =	vst v63  }
0x97: {  	s25 =	sadd.s32 $0x480, s13;
	s31 =	sadd.s32 $0x1D900, s21  }
0x98: {  	[tilespmem:s31], [sflag:$0x1] =	stream.linear.gather [hbm4b:s25+s0], $0x80, $0x38;
	[tilespmem:$0x1E780] =	vst v63  }
0x99: {  	s25 =	sadd.s32 $0x500, s13;
	s31 =	sadd.s32 $0x1DB00, s21  }
0x9a: {  	[tilespmem:s31], [sflag:$0x1] =	stream.linear.gather [hbm4b:s25+s0], $0x80, $0x38;
	[tilespmem:$0x1E780] =	vst v63  }
0x9b: {  	s23 =	sand.u32 $0x3, s15;
	s25 =	sadd.s32 $0x580, s13;
	s31 =	sadd.s32 $0x1DD00, s21  }
0x9c: {  	[tilespmem:s31], [sflag:$0x1] =	stream.linear.gather [hbm4b:s25+s0], $0x80, $0x38;
	[tilespmem:$0x1E780] =	vst v63  }
0x9d: {  	s23 =	sshll.u32 s23, $0x7;
	s25 =	sadd.s32 $0x600, s13;
	s31 =	sadd.s32 $0x1DF00, s21  }
0x9e: {  	[tilespmem:s31], [sflag:$0x1] =	stream.linear.gather [hbm4b:s25+s0], $0x80, $0x38;
	[tilespmem:$0x1E780] =	vst v63  }
0x9f: {  	s23 =	sadd.s32 $0x1C740, s23;
	s25 =	sadd.s32 $0x680, s13;
	s31 =	sadd.s32 $0x1E100, s21  }
0xa0: {  	v6 =	vmov s23;
	[tilespmem:s31], [sflag:$0x1] =	stream.linear.gather [hbm4b:s25+s0], $0x80, $0x38;
	[tilespmem:$0x1E780] =	vst v63  }
0xa1: {  	s25 =	sadd.s32 $0x700, s13;
	s31 =	sadd.s32 $0x1E300, s21  }
0xa2: {  	[tilespmem:s31], [sflag:$0x1] =	stream.linear.gather [hbm4b:s25+s0], $0x80, $0x38;
	[tilespmem:$0x1E780] =	vst v63  }
0xa3: {  	s13 =	sadd.s32 $0x780, s13;
	s21 =	sadd.s32 $0x1E500, s21;
	s31 =	simm.s32 $0x0  }
0xa4: {  	[tilespmem:s21], [sflag:$0x1] =	stream.linear.gather [hbm4b:s13+s0], $0x80, $0x38;
	[tilespmem:$0x1E780] =	vst v63  }
0xa5: {  	v5 =	vld.idx.msk [tilespmem:v6+s31+$0x0 ss:$0x1], $0xffff  }
0xa6: {  	v4 =	vld.idx.msk [tilespmem:v6+s31+$0x10 ss:$0x1], $0xffff  }
0xa7: {  	v8 =	vld.idx.msk [tilespmem:v6+s31+$0x20 ss:$0x1], $0xffff  }
0xa8: {  	v7 =	vld.idx.msk [tilespmem:v6+s31+$0x30 ss:$0x1], $0xffff  }
0xa9: {  	v10 =	vld.idx.msk [tilespmem:v6+s31+$0xFFFFFFC0 ss:$0x1], $0xffff  }
0xaa: {  	v9 =	vld.idx.msk [tilespmem:v6+s31+$0xFFFFFFD0 ss:$0x1], $0xffff  }
0xab: {  	v11 =	vld.idx.msk [tilespmem:v6+s31+$0xFFFFFFE0 ss:$0x1], $0xffff  }
0xac: {  	v12 =	vld.idx.msk [tilespmem:v6+s31+$0xFFFFFFF0 ss:$0x1], $0xffff  }
0xad: {  	v13 =	vld [tilespmem:s19+$0x0]  }
0xae: {  	v14 =	vld [tilespmem:s19+$0x10]  }
0xaf: {  	v15 =	vld [tilespmem:s19+$0xFFFFFFC0]  }
0xb0: {  	v16 =	vld [tilespmem:s19+$0xFFFFFFD0]  }
0xb1: {  	v17 =	vld [tilespmem:s19+$0xFFFFFFE0]  }
0xb2: {  	s21 =	simm.s32 $0x800;
	s13 =	smov.u32 s19;
	v18 =	vld [tilespmem:s19+$0xFFFFFFF0]  }
.LBB2_4:
0xb3: {  	p1 =	sne.s32 s21, $0x7800;
	v19 =	vld [tilespmem:s13+$0x20]  }
0xb4: {  	v20 =	vld [tilespmem:s13+$0x30]  }
0xb5: {  	v13 =	vld.idx.msk [tilespmem:v13+s5+$0x0], $0xffff  }
0xb6: {  	v14 =	vld.idx.msk [tilespmem:v14+s5+$0x0], $0xffff  }
0xb7: {  	v15 =	vld.idx.msk [tilespmem:v15+s5+$0x0], $0xffff  }
0xb8: {  	v16 =	vld.idx.msk [tilespmem:v16+s5+$0x0], $0xffff  }
0xb9: {  	v17 =	vld.idx.msk [tilespmem:v17+s5+$0x0], $0xffff  }
0xba: {  	v18 =	vld.idx.msk [tilespmem:v18+s5+$0x0], $0xffff  }
0xbb: {  	v19 =	vld.idx.msk [tilespmem:v19+s5+$0x0], $0xffff  }
0xbc: {  	s23 =	sshra.s32 s21, $0x2;
	v20 =	vld.idx.msk [tilespmem:v20+s5+$0x0], $0xffff  }
0xbd: {  	v13 =	vsub.f32 v5, v13;
	v5 =	vld.idx.msk [tilespmem:v6+s23+$0x0 ss:$0x1], $0xffff  }
0xbe: {  	v15 =	vsub.f32 v10, v15;
	v10 =	vsub.f32 v4, v14;
	v4 =	vld.idx.msk [tilespmem:v6+s23+$0x10 ss:$0x1], $0xffff  }
0xbf: {  	v9 =	vsub.f32 v9, v16;
	v11 =	vsub.f32 v11, v17;
	v14 =	vld.idx.msk [tilespmem:v6+s23+$0x20 ss:$0x1], $0xffff  }
0xc0: {  	v17 =	vmul.f32 v13, v13;
	v12 =	vsub.f32 v12, v18;
	v18 =	vmul.f32 v10, v10;
	v16 =	vld.idx.msk [tilespmem:v6+s23+$0x30 ss:$0x1], $0xffff  }
0xc1: {  	v13 =	vmul.f32 v15, v15;
	v15 =	vmul.f32 v9, v9;
	v8 =	vsub.f32 v8, v19;
	v10 =	vld.idx.msk [tilespmem:v6+s23+$0xFFFFFFC0 ss:$0x1], $0xffff  }
0xc2: {  	v19 =	vmul.f32 v11, v11;
	v21 =	vmul.f32 v12, v12;
	v7 =	vsub.f32 v7, v20;
	v9 =	vld.idx.msk [tilespmem:v6+s23+$0xFFFFFFD0 ss:$0x1], $0xffff  }
0xc3: {  	v3 =	vadd.f32 v13, v3;
	v2 =	vadd.f32 v15, v2;
	v15 =	vmul.f32 v8, v8;
	v11 =	vld.idx.msk [tilespmem:v6+s23+$0xFFFFFFE0 ss:$0x1], $0xffff  }
0xc4: {  	s13 =	sadd.s32 $0x80, s13;
	v1 =	vadd.f32 v19, v1;
	v0 =	vadd.f32 v21, v0;
	v19 =	vmul.f32 v7, v7;
	v12 =	vld.idx.msk [tilespmem:v6+s23+$0xFFFFFFF0 ss:$0x1], $0xffff  }
0xc5: {  	v3 =	vadd.f32 v17, v3;
	v2 =	vadd.f32 v18, v2;
	v8 =	vmov v14;
	v13 =	vld [tilespmem:s13+$0x0]  }
.Ltmp0:
0xc6: {  	v1 =	vadd.f32 v15, v1;
	v0 =	vadd.f32 v19, v0;
	v7 =	vmov v16;
	v14 =	vld [tilespmem:s13+$0x10];
	(pc) =	sbr.rel @p1 .LBB2_4-.Ltmp0, $4  }
0xc7: {  	v15 =	vld [tilespmem:s13+$0xFFFFFFC0]  }
0xc8: {  	v16 =	vld [tilespmem:s13+$0xFFFFFFD0]  }
0xc9: {  	v17 =	vld [tilespmem:s13+$0xFFFFFFE0]  }
0xca: {  	s21 =	sadd.s32 $0x800, s21;
	v18 =	vld [tilespmem:s13+$0xFFFFFFF0]  }
0xcb: {  	_ =	sdelay $0x1  }
0xcc: {  	v6 =	vld [tilespmem:s13+$0x20]  }
0xcd: {  	v19 =	vld [tilespmem:s13+$0x30]  }
0xce: {  	v13 =	vld.idx.msk [tilespmem:v13+s5+$0x0], $0xffff  }
0xcf: {  	v14 =	vld.idx.msk [tilespmem:v14+s5+$0x0], $0xffff  }
0xd0: {  	v15 =	vld.idx.msk [tilespmem:v15+s5+$0x0], $0xffff  }
0xd1: {  	v16 =	vld.idx.msk [tilespmem:v16+s5+$0x0], $0xffff  }
0xd2: {  	v17 =	vld.idx.msk [tilespmem:v17+s5+$0x0], $0xffff  }
0xd3: {  	v18 =	vld.idx.msk [tilespmem:v18+s5+$0x0], $0xffff  }
0xd4: {  	v6 =	vld.idx.msk [tilespmem:v6+s5+$0x0], $0xffff  }
0xd5: {  	v10 =	vsub.f32 v10, v15;
	v19 =	vld.idx.msk [tilespmem:v19+s5+$0x0], $0xffff  }
0xd6: {  	v5 =	vsub.f32 v5, v13  }
0xd7: {  	v9 =	vsub.f32 v9, v16;
	v11 =	vsub.f32 v11, v17;
	v10 =	vmul.f32 v10, v10  }
0xd8: {  	s17 =	sadd.s32 $0x1, s17;
	v4 =	vsub.f32 v4, v14;
	v5 =	vmul.f32 v5, v5;
	v12 =	vsub.f32 v12, v18  }
0xd9: {  	p1 =	sne.s32 s17, $0x8;
	v9 =	vmul.f32 v9, v9;
	v62 =	vmul.f32 v11, v11;
	v3 =	vadd.f32 v10, v3  }
.Ltmp1:
0xda: {  	v63 =	vmul.f32 v12, v12;
	v6 =	vsub.f32 v8, v6;
	v7 =	vsub.f32 v7, v19;
	(pc) =	sbr.rel @p1 .LBB2_3-.Ltmp1, $4  }
0xdb: {  	v4 =	vmul.f32 v4, v4;
	v2 =	vadd.f32 v9, v2;
	v1 =	vadd.f32 v62, v1  }
0xdc: {  	v0 =	vadd.f32 v63, v0;
	v6 =	vmul.f32 v6, v6;
	v7 =	vmul.f32 v7, v7  }
0xdd: {  	v3 =	vadd.f32 v5, v3;
	v2 =	vadd.f32 v4, v2  }
0xde: {  	s19 =	sadd.s32 $0x800, s19;
	s15 =	sadd.s32 $0x1, s15;
	v1 =	vadd.f32 v6, v1;
	v0 =	vadd.f32 v7, v0  }
.Ltmp2:
0xdf: {  	(pc) =	sbr.rel @p0 .LBB2_2-.Ltmp2, $2  }
0xe0: {  	_ =	sdelay $0x2  }
0xe1: {  	s2 =	simm.s32 $0x1;
	p1 =	por $0x0, $0x0  }
0xe2: {  	_ =	swait.ge [sflag:s30], $0x800  }
0xe3: {  	[sflag:s30] =	ssyncset.done $0x0  }
0xe4: {  	[sflag:s30] =	ssyncadd.s32 $0xFFFFF800  }
0xe5: {  	_ =	swait.ge [sflag:s30], $0x800  }
0xe6: {  	[sflag:s30] =	ssyncset.done $0x0  }
0xe7: {  	v2 =	vadd.f32 v2, v3;
	v0 =	vadd.f32 v0, v1;
	[sflag:s30] =	ssyncadd.s32 $0xFFFFF800  }
0xe8: {  	_ =	swait.ge [sflag:s30], $0x800  }
0xe9: {  	s3 =	sadd.s32 $0x1, s3;
	v0 =	vadd.f32 v0, v2;
	[sflag:s30] =	ssyncset.done $0x0  }
0xea: {  	p0 =	sne.s32 s3, s12;
	[sflag:s30] =	ssyncadd.s32 $0xFFFFF800  }
.Ltmp3:
0xeb: {  	s0 =	simm.s32 $0x1E700;
	[tilespmem:$0x1E700] =	vst v0;
	(pc) =	sbr.rel @p0 .LBB2_1-.Ltmp3, $4  }
0xec: {  	[hbm4b:s11+s5] =	stream.linear.scatter [tilespmem:s0], [sflag:$0x2], $0x80, $0x38;
	[tilespmem:$0x1E780] =	vst v63  }
0xed: {  	_ =	swait.ge [sflag:s14], $0x80  }
0xee: {  	[sflag:s14] =	ssyncset.done $0x0  }
0xef: {  	[sflag:s14] =	ssyncadd.s32 $0xFFFFFF80  }
0xf0: {  	_ =	sfence.sel $0x180000  }
0xf1: {  	[bflag:$0x0] =	sbarrier.arrive $0xFFFF  }
0xf2: {  	_ =	strace $0x90000047  }
0xf3: {  	s0 =	stileid.u32;
	[bflag:$0x2] =	sbarrier.arrive $0xFFFF  }
0xf4: {  	p0 =	sne.s32 s0, $0x0;
	s0 =	rddreg [dreg:$0x4]  }
0xf5: {  	s0 =	sadd.s32 @!p0 $0x100000, s0  }
0xf6: {  	[sflag:s0] =	ssyncadd.tile.s32 @!p0 $0x1;
	_ =	shalt  }
.Lfunc_end2:
_tile_overlayer_lowered:
.L_overlay_start_2:
0xf7: {  	(tag) =	ssettag $0x2  }
0xf8: {  	s0 =	rddreg [dreg:$0x0];
	s2 =	stileid.u32  }
0xf9: {  	s1 =	rddreg [dreg:$0x1];
	p0 =	sne.s32 s2, $0x0  }
0xfa: {  	s3 =	rddreg [dreg:$0x2];
	[bflag:$0x3] =	sbarrier.arrive $0xFFFF;
	s2 =	simm.s32 @!p0 $0x1C02  }
0xfb: {  	[timem:s3], [sflag:s2] =	dma.local @!p0 [hbm:s0], s1  }
0xfc: {  	s0 =	simm.s32 @!p0 $0x2  }
0xfd: {  	_ =	swait.ge @!p0 [sflag:s0], s1  }
0xfe: {  	s1 =	ssub.s32 @!p0 $0x0, s1;
	[sflag:s0] =	ssyncset.done @!p0 $0x0  }
0xff: {  	[sflag:s0] =	ssyncadd.s32 @!p0 s1  }
0x100: {  	[bflag:$0x3] =	sbarrier.arrive $0xFFFF  }
0x101: {  	_ =	shalt  }

</sc_bundles>
